<compile_context>
chip_gen: v7x
topology: tpu7x:2x2x1
jax: 0.10.2.dev20260603
libtpu: 0.0.44.dev20260713+nightly
codegen_flags: <defaults>
</compile_context>

<pallas_src>
import functools

import jax
import jax.numpy as jnp
from jax import lax
from jax.experimental import pallas as pl
from jax.experimental.pallas import tpu as pltpu
from jax.experimental.pallas import tpu_sc as plsc

_N = 10000
_E = 320000
_D = 128

_NC = 2
_NS = 16
_NW = _NC * _NS
_EPW = _E // _NW
_CH = 80
_NCH = _EPW // _CH
_NPAD = 10240
_RPT = _NPAD // _NS

_BN = 1000
_BE = 1280


def _silu(v):
    return v * jax.nn.sigmoid(v)


def _pre_body(x_ref, temb_ref, wl_ref, bl_ref, wt_ref, bt_ref, wl1_ref, h_ref):
    t = _silu(temb_ref[...]) @ wt_ref[...]
    u = x_ref[...] @ wl_ref[...] + bl_ref[...] + t + bt_ref[...]
    h_ref[...] = u @ wl1_ref[...]


def _preproc(x, temb, W_lin, b_lin, W_temb, b_temb, W_lin1):
    row = pl.BlockSpec((_BN, _D), lambda i: (i, 0))
    full = pl.BlockSpec((_D, _D), lambda i: (0, 0))
    vec = pl.BlockSpec((1, _D), lambda i: (0, 0))
    return pl.pallas_call(
        _pre_body,
        grid=(_N // _BN,),
        in_specs=[row, row, full, vec, full, vec, full],
        out_specs=row,
        out_shape=jax.ShapeDtypeStruct((_N, _D), jnp.float32),
    )(x, temb, W_lin, b_lin.reshape(1, _D), W_temb, b_temb.reshape(1, _D), W_lin1)


def _gather_body(h_hbm, ridx_hbm, cidx_hbm, hr_hbm, hc_hbm,
                 idxr, idxc, bufr, bufc, semr, semc):
    w = lax.axis_index("s") * _NC + lax.axis_index("c")

    def body(j, carry):
        base = w * _EPW + j * _CH
        pltpu.sync_copy(ridx_hbm.at[pl.ds(base, _CH)], idxr)
        pltpu.sync_copy(cidx_hbm.at[pl.ds(base, _CH)], idxc)
        cr = pltpu.async_copy(h_hbm.at[idxr], bufr, semr)
        cc = pltpu.async_copy(h_hbm.at[idxc], bufc, semc)
        cr.wait()
        cc.wait()
        pltpu.sync_copy(bufr, hr_hbm.at[pl.ds(base, _CH)])
        pltpu.sync_copy(bufc, hc_hbm.at[pl.ds(base, _CH)])
        return carry

    lax.fori_loop(0, _NCH, body, 0)


_gather = functools.partial(
    pl.kernel,
    mesh=plsc.VectorSubcoreMesh(core_axis_name="c", subcore_axis_name="s"),
    out_type=[jax.ShapeDtypeStruct((_E, _D), jnp.float32),
              jax.ShapeDtypeStruct((_E, _D), jnp.float32)],
    scratch_types=[pltpu.VMEM((_CH,), jnp.int32),
                   pltpu.VMEM((_CH,), jnp.int32),
                   pltpu.VMEM((_CH, _D), jnp.float32),
                   pltpu.VMEM((_CH, _D), jnp.float32),
                   pltpu.SemaphoreType.DMA,
                   pltpu.SemaphoreType.DMA],
)(_gather_body)


def _edge_body(hr_ref, hc_ref, em_ref, war, wac, ba1, wa2, ba2,
               wer, wec, be1, we2, be2, m_ref):
    hr = hr_ref[...]
    hc = hc_ref[...]
    pa = hr @ war[...] + hc @ wac[...] + ba1[...]
    t = _silu(pa) @ wa2[...] + ba2[...]
    att = jax.nn.sigmoid(t) * em_ref[...]
    pe = hr @ wer[...] + hc @ wec[...] + be1[...]
    m = _silu(_silu(pe) @ we2[...] + be2[...])
    m_ref[...] = m * att


def _edge_mlp(hr, hc, edge_mask, W_att1, b_att1, W_att2, b_att2,
              W_em1, b_em1, W_em2, b_em2):
    row = pl.BlockSpec((_BE, _D), lambda i: (i, 0))
    mask = pl.BlockSpec((_BE, 1), lambda i: (i, 0))
    full = pl.BlockSpec((_D, _D), lambda i: (0, 0))
    vec = pl.BlockSpec((1, _D), lambda i: (0, 0))
    w2 = pl.BlockSpec((_D, 1), lambda i: (0, 0))
    s2 = pl.BlockSpec((1, 1), lambda i: (0, 0))
    return pl.pallas_call(
        _edge_body,
        grid=(_E // _BE,),
        in_specs=[row, row, mask, full, full, vec, w2, s2,
                  full, full, vec, full, vec],
        out_specs=row,
        out_shape=jax.ShapeDtypeStruct((_E, _D), jnp.float32),
    )(hr, hc, edge_mask,
      W_att1[:_D], W_att1[_D:], b_att1.reshape(1, _D),
      W_att2, b_att2.reshape(1, 1),
      W_em1[:_D], W_em1[_D:], b_em1.reshape(1, _D),
      W_em2, b_em2.reshape(1, _D))


def _scatter_body(m_hbm, ridx_hbm, z_hbm, out_hbm, idxv, mbuf, aggsh):
    c = lax.axis_index("c")
    s = lax.axis_index("s")
    w = s * _NC + c
    pltpu.sync_copy(z_hbm.at[pl.ds(s * _RPT, _RPT)],
                    aggsh.at[pl.ds(s * _RPT, _RPT)])
    plsc.subcore_barrier()

    def body(j, carry):
        base = w * _EPW + j * _CH
        pltpu.sync_copy(ridx_hbm.at[pl.ds(base, _CH)], idxv)
        pltpu.sync_copy(m_hbm.at[pl.ds(base, _CH)], mbuf)
        pltpu.sync_copy(mbuf, aggsh.at[idxv], add=True)
        return carry

    lax.fori_loop(0, _NCH, body, 0)
    plsc.subcore_barrier()
    pltpu.sync_copy(aggsh.at[pl.ds(s * _RPT, _RPT)],
                    out_hbm.at[c, pl.ds(s * _RPT, _RPT)])


_scatter = functools.partial(
    pl.kernel,
    mesh=plsc.VectorSubcoreMesh(core_axis_name="c", subcore_axis_name="s"),
    out_type=jax.ShapeDtypeStruct((_NC, _NPAD, _D), jnp.float32),
    scratch_types=[pltpu.VMEM((_CH,), jnp.int32),
                   pltpu.VMEM((_CH, _D), jnp.float32),
                   pltpu.VMEM_SHARED((_NPAD, _D), jnp.float32)],
)(_scatter_body)


def _node_body(h_ref, p0_ref, p1_ref, nm_ref, wnr, wna, bn1, wn2, bn2, o_ref):
    h = h_ref[...]
    agg = p0_ref[...] + p1_ref[...]
    u = _silu(h @ wnr[...] + agg @ wna[...] + bn1[...])
    o_ref[...] = (h + u @ wn2[...] + bn2[...]) * nm_ref[...]


def _node_mlp(h, p0, p1, node_mask, W_nm1, b_nm1, W_nm2, b_nm2):
    row = pl.BlockSpec((_BN, _D), lambda i: (i, 0))
    mask = pl.BlockSpec((_BN, 1), lambda i: (i, 0))
    full = pl.BlockSpec((_D, _D), lambda i: (0, 0))
    vec = pl.BlockSpec((1, _D), lambda i: (0, 0))
    return pl.pallas_call(
        _node_body,
        grid=(_N // _BN,),
        in_specs=[row, row, row, mask, full, full, vec, full, vec],
        out_specs=row,
        out_shape=jax.ShapeDtypeStruct((_N, _D), jnp.float32),
    )(h, p0, p1, node_mask,
      W_nm1[:_D], W_nm1[_D:], b_nm1.reshape(1, _D), W_nm2, b_nm2.reshape(1, _D))


def kernel(x, edges, node_mask, edge_mask, temb,
           W_lin, b_lin, W_lin1, W_temb, b_temb,
           W_att1, b_att1, W_att2, b_att2,
           W_em1, b_em1, W_em2, b_em2,
           W_nm1, b_nm1, W_nm2, b_nm2):
    ridx = edges[0]
    cidx = edges[1]

    h = _preproc(x, temb, W_lin, b_lin, W_temb, b_temb, W_lin1)
    hr, hc = _gather(h, ridx, cidx)
    m = _edge_mlp(hr, hc, edge_mask, W_att1, b_att1, W_att2, b_att2,
                  W_em1, b_em1, W_em2, b_em2)
    zeros = jnp.zeros((_NPAD, _D), jnp.float32)
    part = _scatter(m, ridx, zeros)
    out = _node_mlp(h, part[0], part[1], node_mask, W_nm1, b_nm1, W_nm2, b_nm2)
    return out

# --- scband reference (transcript-rebuilt; emitter-appended) ---
"""Pipeline reference for scband-gclayer-54296976556722 (READ-ONLY COPY).

The authoritative reference and input builder live on the scoring server;
editing this copy changes nothing except your own understanding.
"""

import jax, jax.numpy as jnp
import numpy as np

N = 10000
E = 320000
D = 128

def silu(v):
    return v * jax.nn.sigmoid(v)

def _lin(key, fan_in, fan_out, bias=True):
    k1, k2 = jax.random.split(key)
    bound = 1.0 / np.sqrt(fan_in)
    W = jax.random.uniform(k1, (fan_in, fan_out), minval=-bound, maxval=bound, dtype=jnp.float32)
    if bias:
        b = jax.random.uniform(k2, (fan_out,), minval=-bound, maxval=bound, dtype=jnp.float32)
        return W, b
    return W

def setup_inputs(seed: int = 0) -> dict:
    key = jax.random.key(seed)
    ks = jax.random.split(key, 16)
    x = jax.random.normal(ks[0], (N, D), dtype=jnp.float32)
    edges = jax.random.randint(ks[1], (2, E), 0, N, dtype=jnp.int32)
    node_mask = jnp.ones((N, 1), dtype=jnp.float32)
    edge_mask = jnp.ones((E, 1), dtype=jnp.float32)
    temb = jax.random.normal(ks[2], (N, D), dtype=jnp.float32)
    W_lin, b_lin = _lin(ks[3], D, D)
    W_lin1 = _lin(ks[4], D, D, bias=False)
    W_temb, b_temb = _lin(ks[5], 128, 128)
    W_att1, b_att1 = _lin(ks[6], 2 * D, D)
    W_att2, b_att2 = _lin(ks[7], D, 1)
    W_em1, b_em1 = _lin(ks[8], 2 * D, D)
    W_em2, b_em2 = _lin(ks[9], D, D)
    W_nm1, b_nm1 = _lin(ks[10], 2 * D, D)
    W_nm2, b_nm2 = _lin(ks[11], D, D)
    return {"x": x, "edges": edges, "node_mask": node_mask, "edge_mask": edge_mask, "temb": temb,
            "W_lin": W_lin, "b_lin": b_lin, "W_lin1": W_lin1, "W_temb": W_temb, "b_temb": b_temb,
            "W_att1": W_att1, "b_att1": b_att1, "W_att2": W_att2, "b_att2": b_att2,
            "W_em1": W_em1, "b_em1": b_em1, "W_em2": W_em2, "b_em2": b_em2,
            "W_nm1": W_nm1, "b_nm1": b_nm1, "W_nm2": W_nm2, "b_nm2": b_nm2}

def reference(x, edges, node_mask, edge_mask, temb,
              W_lin, b_lin, W_lin1, W_temb, b_temb,
              W_att1, b_att1, W_att2, b_att2,
              W_em1, b_em1, W_em2, b_em2,
              W_nm1, b_nm1, W_nm2, b_nm2):
    # x = linear(x)
    h = x @ W_lin + b_lin
    # x = x + temb_net(temb) ; temb_net = Sequential(act, Linear(128,128))
    h = h + (silu(temb) @ W_temb + b_temb)
    # x = linear1(x) (no bias)
    h = h @ W_lin1
    # Agg
    row = edges[0]
    col = edges[1]
    hr = jnp.take(h, row, axis=0)
    hc = jnp.take(h, col, axis=0)
    cat = jnp.concatenate([hr, hc], axis=-1)
    # DenseAtt: MLP(2F -> F, SiLU, F -> 1, sigmoid) * edge_mask (edge_dim=0, eval dropout)
    att = jax.nn.sigmoid(silu(cat @ W_att1 + b_att1) @ W_att2 + b_att2) * edge_mask
    # edge_mlp: Linear(2F,F), act, Linear(F,F), act
    m = silu(silu(cat @ W_em1 + b_em1) @ W_em2 + b_em2) * att
    # unsorted_segment_sum over row, normalization 'sum' with factor 1
    agg = jnp.zeros((h.shape[0], m.shape[1]), dtype=m.dtype).at[row].add(m)
    agg = agg / 1.0
    cat2 = jnp.concatenate([h, agg], axis=1)
    # node_mlp: Linear(2F,F), act, Linear(F,F)
    out = h + (silu(cat2 @ W_nm1 + b_nm1) @ W_nm2 + b_nm2)
    return out * node_mask

if __name__ == "__main__":
    import jax
    _d = setup_inputs()
    print(jax.jit(kernel)(*tuple(_d.values())))

</pallas_src>

<mosaic_0001>
#map = affine_map<(d0, d1) -> (0, 0)>
#map1 = affine_map<(d0, d1) -> (0)>
#map2 = affine_map<(d0, d1) -> (0, 0, 0)>
module attributes {stable_mosaic.version = 14 : i64} {
  func.func @_scatter_body(%arg0: i32, %arg1: i32, %arg2: memref<320000x128xf32, #tpu.memory_space<hbm>>, %arg3: memref<320000xi32, #tpu.memory_space<hbm>>, %arg4: memref<10240x128xf32, #tpu.memory_space<hbm>>, %arg5: memref<2x10240x128xf32, #tpu.memory_space<hbm>>, %arg6: memref<80xi32, #tpu.memory_space<vmem>>, %arg7: memref<80x128xf32, #tpu.memory_space<vmem>>, %arg8: memref<10240x128xf32, #tpu.memory_space<vmem_shared>>) attributes {dimension_semantics = [#tpu.dimension_semantics<core_parallel>, #tpu.dimension_semantics<subcore_parallel>], iteration_bounds = array<i64: 2, 16>, scalar_prefetch = 0 : i64, scratch_operands = 3 : i64, tpu.core_type = #tpu.core_type<sc_vector_subcore>, window_params = [{transform_indices = #map}, {transform_indices = #map1}, {transform_indices = #map}, {transform_indices = #map2}]} {
    %mul3A = arith.constant 2 : i32
    %mul3A_0 = arith.muli %arg1, %mul3A : i32
    %add3A = arith.addi %mul3A_0, %arg0 : i32
    %mul3A_1 = arith.constant 640 : i32
    %mul3A_2 = arith.muli %arg1, %mul3A_1 : i32
    %mul3A_3 = arith.constant 640 : i32
    %mul3A_4 = arith.muli %arg1, %mul3A_3 : i32
    "tpu.region"() ({
      %run_scoped3A = tpu.sem_alloc : memref<!tpu.dma_semaphore, #tpu.memory_space<semaphore_mem>>
      %dma_start3A = arith.constant 0 : i32
      %dma_start3A_15 = tpu.memref_slice %arg8[%mul3A_4, %dma_start3A] : memref<10240x128xf32, #tpu.memory_space<vmem_shared>> -> memref<640x128xf32, #tpu.memory_space<vmem_shared>>
      %dma_start3A_16 = arith.constant 0 : i32
      %dma_start3A_17 = tpu.memref_slice %arg4[%mul3A_2, %dma_start3A_16] : memref<10240x128xf32, #tpu.memory_space<hbm>> -> memref<640x128xf32, #tpu.memory_space<hbm>>
      tpu.enqueue_dma source(%dma_start3A_17 : memref<640x128xf32, #tpu.memory_space<hbm>>) target(%dma_start3A_15 : memref<640x128xf32, #tpu.memory_space<vmem_shared>>) target_semaphore(%run_scoped3A : memref<!tpu.dma_semaphore, #tpu.memory_space<semaphore_mem>>)
      %dma_wait3A = arith.constant 0 : i32
      %dma_wait3A_18 = tpu.memref_slice %arg8[%mul3A_4, %dma_wait3A] : memref<10240x128xf32, #tpu.memory_space<vmem_shared>> -> memref<640x128xf32, #tpu.memory_space<vmem_shared>>
      %dma_wait3A_19 = arith.constant 0 : i32
      %dma_wait3A_20 = tpu.memref_slice %arg4[%mul3A_2, %dma_wait3A_19] : memref<10240x128xf32, #tpu.memory_space<hbm>> -> memref<640x128xf32, #tpu.memory_space<hbm>>
      tpu.wait_dma2 semaphore(%run_scoped3A : memref<!tpu.dma_semaphore, #tpu.memory_space<semaphore_mem>>) src(%dma_wait3A_20 : memref<640x128xf32, #tpu.memory_space<hbm>>) dst(%dma_wait3A_18 : memref<640x128xf32, #tpu.memory_space<vmem_shared>>)
      tpu.yield
    }) : () -> ()
    %barrier3A = arith.constant 0 : index
    tpu.barrier barrier_id(%barrier3A)
    %scan3A = arith.constant 0 : i32
    %scan3A_5 = arith.constant 0 : i32
    %scan3A_6 = arith.constant 125 : i32
    %scan3A_7 = arith.addi %scan3A_5, %scan3A_6 : i32
    %scan3A_8 = arith.constant 1 : i32
    scf.for %scan3A_15 = %scan3A_5 to %scan3A_7 step %scan3A_8  : i32 {
      %mul3A_16 = arith.constant 10000 : i32
      %mul3A_17 = arith.muli %add3A, %mul3A_16 : i32
      %mul3A_18 = arith.constant 80 : i32
      %mul3A_19 = arith.muli %scan3A_15, %mul3A_18 : i32
      %add3A_20 = arith.addi %mul3A_17, %mul3A_19 : i32
      "tpu.region"() ({
        %run_scoped3A = tpu.sem_alloc : memref<!tpu.dma_semaphore, #tpu.memory_space<semaphore_mem>>
        %dma_start3A = tpu.memref_slice %arg3[%add3A_20] : memref<320000xi32, #tpu.memory_space<hbm>> -> memref<80xi32, #tpu.memory_space<hbm>>
        %dma_start3A_21 = tpu.memref_slice %arg3[%add3A_20] : memref<320000xi32, #tpu.memory_space<hbm>> -> memref<80xi32, #tpu.memory_space<hbm>>
        tpu.enqueue_dma source(%dma_start3A_21 : memref<80xi32, #tpu.memory_space<hbm>>) target(%arg6 : memref<80xi32, #tpu.memory_space<vmem>>) target_semaphore(%run_scoped3A : memref<!tpu.dma_semaphore, #tpu.memory_space<semaphore_mem>>)
        %dma_wait3A = tpu.memref_slice %arg3[%add3A_20] : memref<320000xi32, #tpu.memory_space<hbm>> -> memref<80xi32, #tpu.memory_space<hbm>>
        %dma_wait3A_22 = tpu.memref_slice %arg3[%add3A_20] : memref<320000xi32, #tpu.memory_space<hbm>> -> memref<80xi32, #tpu.memory_space<hbm>>
        tpu.wait_dma2 semaphore(%run_scoped3A : memref<!tpu.dma_semaphore, #tpu.memory_space<semaphore_mem>>) src(%dma_wait3A_22 : memref<80xi32, #tpu.memory_space<hbm>>) dst(%arg6 : memref<80xi32, #tpu.memory_space<vmem>>)
        tpu.yield
      }) : () -> ()
      "tpu.region"() ({
        %run_scoped3A = tpu.sem_alloc : memref<!tpu.dma_semaphore, #tpu.memory_space<semaphore_mem>>
        %dma_start3A = arith.constant 0 : i32
        %dma_start3A_21 = tpu.memref_slice %arg2[%add3A_20, %dma_start3A] : memref<320000x128xf32, #tpu.memory_space<hbm>> -> memref<80x128xf32, #tpu.memory_space<hbm>>
        %dma_start3A_22 = arith.constant 0 : i32
        %dma_start3A_23 = tpu.memref_slice %arg2[%add3A_20, %dma_start3A_22] : memref<320000x128xf32, #tpu.memory_space<hbm>> -> memref<80x128xf32, #tpu.memory_space<hbm>>
        tpu.enqueue_dma source(%dma_start3A_23 : memref<80x128xf32, #tpu.memory_space<hbm>>) target(%arg7 : memref<80x128xf32, #tpu.memory_space<vmem>>) target_semaphore(%run_scoped3A : memref<!tpu.dma_semaphore, #tpu.memory_space<semaphore_mem>>)
        %dma_wait3A = arith.constant 0 : i32
        %dma_wait3A_24 = tpu.memref_slice %arg2[%add3A_20, %dma_wait3A] : memref<320000x128xf32, #tpu.memory_space<hbm>> -> memref<80x128xf32, #tpu.memory_space<hbm>>
        %dma_wait3A_25 = arith.constant 0 : i32
        %dma_wait3A_26 = tpu.memref_slice %arg2[%add3A_20, %dma_wait3A_25] : memref<320000x128xf32, #tpu.memory_space<hbm>> -> memref<80x128xf32, #tpu.memory_space<hbm>>
        tpu.wait_dma2 semaphore(%run_scoped3A : memref<!tpu.dma_semaphore, #tpu.memory_space<semaphore_mem>>) src(%dma_wait3A_26 : memref<80x128xf32, #tpu.memory_space<hbm>>) dst(%arg7 : memref<80x128xf32, #tpu.memory_space<vmem>>)
        tpu.yield
      }) : () -> ()
      "tpu.region"() ({
        %run_scoped3A = tpu.sem_alloc : memref<!tpu.dma_semaphore, #tpu.memory_space<semaphore_mem>>
        %dma_start3A = arith.constant 0 : i32
        %dma_start3A_21 = arith.constant 0 : i32
        %dma_start3A_22 = tpu.memref_slice %arg8[%dma_start3A, %dma_start3A_21] : memref<10240x128xf32, #tpu.memory_space<vmem_shared>> -> memref<10240x128xf32, #tpu.memory_space<vmem_shared>>
        tpu.enqueue_indirect_dma source(%arg7 : memref<80x128xf32, #tpu.memory_space<vmem>>) target(%dma_start3A_22 : memref<10240x128xf32, #tpu.memory_space<vmem_shared>>) offsets(%arg6 : memref<80xi32, #tpu.memory_space<vmem>>) semaphore(%run_scoped3A : memref<!tpu.dma_semaphore, #tpu.memory_space<semaphore_mem>>) {add = true}
        %dma_wait3A = arith.constant 0 : i32
        %dma_wait3A_23 = arith.constant 0 : i32
        %dma_wait3A_24 = tpu.memref_slice %arg8[%dma_wait3A, %dma_wait3A_23] : memref<10240x128xf32, #tpu.memory_space<vmem_shared>> -> memref<10240x128xf32, #tpu.memory_space<vmem_shared>>
        tpu.wait_indirect_dma semaphore(%run_scoped3A : memref<!tpu.dma_semaphore, #tpu.memory_space<semaphore_mem>>) src(%arg7 : memref<80x128xf32, #tpu.memory_space<vmem>>) dst(%dma_wait3A_24 : memref<10240x128xf32, #tpu.memory_space<vmem_shared>>)
        tpu.yield
      }) : () -> ()
    }
    %scan3A_9 = arith.constant 125 : i32
    %barrier3A_10 = arith.constant 0 : index
    tpu.barrier barrier_id(%barrier3A_10)
    %mul3A_11 = arith.constant 640 : i32
    %mul3A_12 = arith.muli %arg1, %mul3A_11 : i32
    %mul3A_13 = arith.constant 640 : i32
    %mul3A_14 = arith.muli %arg1, %mul3A_13 : i32
    "tpu.region"() ({
      %run_scoped3A = tpu.sem_alloc : memref<!tpu.dma_semaphore, #tpu.memory_space<semaphore_mem>>
      %dma_start3A = arith.constant 0 : i32
      %dma_start3A_15 = tpu.memref_slice %arg5[%arg0, %mul3A_14, %dma_start3A] : memref<2x10240x128xf32, #tpu.memory_space<hbm>> -> memref<1x640x128xf32, #tpu.memory_space<hbm>>
      %dma_start3A_16 = tpu.memref_squeeze %dma_start3A_15 : memref<1x640x128xf32, #tpu.memory_space<hbm>> -> memref<640x128xf32, #tpu.memory_space<hbm>>
      %dma_start3A_17 = arith.constant 0 : i32
      %dma_start3A_18 = tpu.memref_slice %arg8[%mul3A_12, %dma_start3A_17] : memref<10240x128xf32, #tpu.memory_space<vmem_shared>> -> memref<640x128xf32, #tpu.memory_space<vmem_shared>>
      tpu.enqueue_dma source(%dma_start3A_18 : memref<640x128xf32, #tpu.memory_space<vmem_shared>>) target(%dma_start3A_16 : memref<640x128xf32, #tpu.memory_space<hbm>>) target_semaphore(%run_scoped3A : memref<!tpu.dma_semaphore, #tpu.memory_space<semaphore_mem>>)
      %dma_wait3A = arith.constant 0 : i32
      %dma_wait3A_19 = tpu.memref_slice %arg5[%arg0, %mul3A_14, %dma_wait3A] : memref<2x10240x128xf32, #tpu.memory_space<hbm>> -> memref<1x640x128xf32, #tpu.memory_space<hbm>>
      %dma_wait3A_20 = tpu.memref_squeeze %dma_wait3A_19 : memref<1x640x128xf32, #tpu.memory_space<hbm>> -> memref<640x128xf32, #tpu.memory_space<hbm>>
      %dma_wait3A_21 = arith.constant 0 : i32
      %dma_wait3A_22 = tpu.memref_slice %arg8[%mul3A_12, %dma_wait3A_21] : memref<10240x128xf32, #tpu.memory_space<vmem_shared>> -> memref<640x128xf32, #tpu.memory_space<vmem_shared>>
      tpu.wait_dma2 semaphore(%run_scoped3A : memref<!tpu.dma_semaphore, #tpu.memory_space<semaphore_mem>>) src(%dma_wait3A_22 : memref<640x128xf32, #tpu.memory_space<vmem_shared>>) dst(%dma_wait3A_20 : memref<640x128xf32, #tpu.memory_space<hbm>>)
      tpu.yield
    }) : () -> ()
    return
  }
}

#map = affine_map<(d0, d1) -> (0, 0)>
#map1 = affine_map<(d0, d1) -> (0)>
module attributes {stable_mosaic.version = 14 : i64} {
  func.func @_gather_body(%arg0: i32, %arg1: i32, %arg2: memref<10000x128xf32, #tpu.memory_space<hbm>>, %arg3: memref<320000xi32, #tpu.memory_space<hbm>>, %arg4: memref<320000xi32, #tpu.memory_space<hbm>>, %arg5: memref<320000x128xf32, #tpu.memory_space<hbm>>, %arg6: memref<320000x128xf32, #tpu.memory_space<hbm>>, %arg7: memref<80xi32, #tpu.memory_space<vmem>>, %arg8: memref<80xi32, #tpu.memory_space<vmem>>, %arg9: memref<80x128xf32, #tpu.memory_space<vmem>>, %arg10: memref<80x128xf32, #tpu.memory_space<vmem>>, %arg11: memref<!tpu.dma_semaphore, #tpu.memory_space<semaphore_mem>>, %arg12: memref<!tpu.dma_semaphore, #tpu.memory_space<semaphore_mem>>) attributes {dimension_semantics = [#tpu.dimension_semantics<core_parallel>, #tpu.dimension_semantics<subcore_parallel>], iteration_bounds = array<i64: 2, 16>, scalar_prefetch = 0 : i64, scratch_operands = 6 : i64, tpu.core_type = #tpu.core_type<sc_vector_subcore>, window_params = [{transform_indices = #map}, {transform_indices = #map1}, {transform_indices = #map1}, {transform_indices = #map}, {transform_indices = #map}]} {
    %mul3A = arith.constant 2 : i32
    %mul3A_0 = arith.muli %arg1, %mul3A : i32
    %add3A = arith.addi %mul3A_0, %arg0 : i32
    %scan3A = arith.constant 0 : i32
    %scan3A_1 = arith.constant 0 : i32
    %scan3A_2 = arith.constant 125 : i32
    %scan3A_3 = arith.addi %scan3A_1, %scan3A_2 : i32
    %scan3A_4 = arith.constant 1 : i32
    scf.for %scan3A_6 = %scan3A_1 to %scan3A_3 step %scan3A_4  : i32 {
      %mul3A_7 = arith.constant 10000 : i32
      %mul3A_8 = arith.muli %add3A, %mul3A_7 : i32
      %mul3A_9 = arith.constant 80 : i32
      %mul3A_10 = arith.muli %scan3A_6, %mul3A_9 : i32
      %add3A_11 = arith.addi %mul3A_8, %mul3A_10 : i32
      "tpu.region"() ({
        %run_scoped3A = tpu.sem_alloc : memref<!tpu.dma_semaphore, #tpu.memory_space<semaphore_mem>>
        %dma_start3A_22 = tpu.memref_slice %arg3[%add3A_11] : memref<320000xi32, #tpu.memory_space<hbm>> -> memref<80xi32, #tpu.memory_space<hbm>>
        %dma_start3A_23 = tpu.memref_slice %arg3[%add3A_11] : memref<320000xi32, #tpu.memory_space<hbm>> -> memref<80xi32, #tpu.memory_space<hbm>>
        tpu.enqueue_dma source(%dma_start3A_23 : memref<80xi32, #tpu.memory_space<hbm>>) target(%arg7 : memref<80xi32, #tpu.memory_space<vmem>>) target_semaphore(%run_scoped3A : memref<!tpu.dma_semaphore, #tpu.memory_space<semaphore_mem>>)
        %dma_wait3A_24 = tpu.memref_slice %arg3[%add3A_11] : memref<320000xi32, #tpu.memory_space<hbm>> -> memref<80xi32, #tpu.memory_space<hbm>>
        %dma_wait3A_25 = tpu.memref_slice %arg3[%add3A_11] : memref<320000xi32, #tpu.memory_space<hbm>> -> memref<80xi32, #tpu.memory_space<hbm>>
        tpu.wait_dma2 semaphore(%run_scoped3A : memref<!tpu.dma_semaphore, #tpu.memory_space<semaphore_mem>>) src(%dma_wait3A_25 : memref<80xi32, #tpu.memory_space<hbm>>) dst(%arg7 : memref<80xi32, #tpu.memory_space<vmem>>)
        tpu.yield
      }) : () -> ()
      "tpu.region"() ({
        %run_scoped3A = tpu.sem_alloc : memref<!tpu.dma_semaphore, #tpu.memory_space<semaphore_mem>>
        %dma_start3A_22 = tpu.memref_slice %arg4[%add3A_11] : memref<320000xi32, #tpu.memory_space<hbm>> -> memref<80xi32, #tpu.memory_space<hbm>>
        %dma_start3A_23 = tpu.memref_slice %arg4[%add3A_11] : memref<320000xi32, #tpu.memory_space<hbm>> -> memref<80xi32, #tpu.memory_space<hbm>>
        tpu.enqueue_dma source(%dma_start3A_23 : memref<80xi32, #tpu.memory_space<hbm>>) target(%arg8 : memref<80xi32, #tpu.memory_space<vmem>>) target_semaphore(%run_scoped3A : memref<!tpu.dma_semaphore, #tpu.memory_space<semaphore_mem>>)
        %dma_wait3A_24 = tpu.memref_slice %arg4[%add3A_11] : memref<320000xi32, #tpu.memory_space<hbm>> -> memref<80xi32, #tpu.memory_space<hbm>>
        %dma_wait3A_25 = tpu.memref_slice %arg4[%add3A_11] : memref<320000xi32, #tpu.memory_space<hbm>> -> memref<80xi32, #tpu.memory_space<hbm>>
        tpu.wait_dma2 semaphore(%run_scoped3A : memref<!tpu.dma_semaphore, #tpu.memory_space<semaphore_mem>>) src(%dma_wait3A_25 : memref<80xi32, #tpu.memory_space<hbm>>) dst(%arg8 : memref<80xi32, #tpu.memory_space<vmem>>)
        tpu.yield
      }) : () -> ()
      %dma_start3A = arith.constant 0 : i32
      %dma_start3A_12 = arith.constant 0 : i32
      %dma_start3A_13 = tpu.memref_slice %arg2[%dma_start3A, %dma_start3A_12] : memref<10000x128xf32, #tpu.memory_space<hbm>> -> memref<10000x128xf32, #tpu.memory_space<hbm>>
      tpu.enqueue_indirect_dma source(%dma_start3A_13 : memref<10000x128xf32, #tpu.memory_space<hbm>>) target(%arg9 : memref<80x128xf32, #tpu.memory_space<vmem>>) offsets(%arg7 : memref<80xi32, #tpu.memory_space<vmem>>) semaphore(%arg11 : memref<!tpu.dma_semaphore, #tpu.memory_space<semaphore_mem>>)
      %dma_start3A_14 = arith.constant 0 : i32
      %dma_start3A_15 = arith.constant 0 : i32
      %dma_start3A_16 = tpu.memref_slice %arg2[%dma_start3A_14, %dma_start3A_15] : memref<10000x128xf32, #tpu.memory_space<hbm>> -> memref<10000x128xf32, #tpu.memory_space<hbm>>
      tpu.enqueue_indirect_dma source(%dma_start3A_16 : memref<10000x128xf32, #tpu.memory_space<hbm>>) target(%arg10 : memref<80x128xf32, #tpu.memory_space<vmem>>) offsets(%arg8 : memref<80xi32, #tpu.memory_space<vmem>>) semaphore(%arg12 : memref<!tpu.dma_semaphore, #tpu.memory_space<semaphore_mem>>)
      %dma_wait3A = arith.constant 0 : i32
      %dma_wait3A_17 = arith.constant 0 : i32
      %dma_wait3A_18 = tpu.memref_slice %arg2[%dma_wait3A, %dma_wait3A_17] : memref<10000x128xf32, #tpu.memory_space<hbm>> -> memref<10000x128xf32, #tpu.memory_space<hbm>>
      tpu.wait_indirect_dma semaphore(%arg11 : memref<!tpu.dma_semaphore, #tpu.memory_space<semaphore_mem>>) src(%dma_wait3A_18 : memref<10000x128xf32, #tpu.memory_space<hbm>>) dst(%arg9 : memref<80x128xf32, #tpu.memory_space<vmem>>)
      %dma_wait3A_19 = arith.constant 0 : i32
      %dma_wait3A_20 = arith.constant 0 : i32
      %dma_wait3A_21 = tpu.memref_slice %arg2[%dma_wait3A_19, %dma_wait3A_20] : memref<10000x128xf32, #tpu.memory_space<hbm>> -> memref<10000x128xf32, #tpu.memory_space<hbm>>
      tpu.wait_indirect_dma semaphore(%arg12 : memref<!tpu.dma_semaphore, #tpu.memory_space<semaphore_mem>>) src(%dma_wait3A_21 : memref<10000x128xf32, #tpu.memory_space<hbm>>) dst(%arg10 : memref<80x128xf32, #tpu.memory_space<vmem>>)
      "tpu.region"() ({
        %run_scoped3A = tpu.sem_alloc : memref<!tpu.dma_semaphore, #tpu.memory_space<semaphore_mem>>
        %dma_start3A_22 = arith.constant 0 : i32
        %dma_start3A_23 = tpu.memref_slice %arg5[%add3A_11, %dma_start3A_22] : memref<320000x128xf32, #tpu.memory_space<hbm>> -> memref<80x128xf32, #tpu.memory_space<hbm>>
        %dma_start3A_24 = arith.constant 0 : i32
        %dma_start3A_25 = tpu.memref_slice %arg5[%add3A_11, %dma_start3A_24] : memref<320000x128xf32, #tpu.memory_space<hbm>> -> memref<80x128xf32, #tpu.memory_space<hbm>>
        tpu.enqueue_dma source(%arg9 : memref<80x128xf32, #tpu.memory_space<vmem>>) target(%dma_start3A_25 : memref<80x128xf32, #tpu.memory_space<hbm>>) target_semaphore(%run_scoped3A : memref<!tpu.dma_semaphore, #tpu.memory_space<semaphore_mem>>)
        %dma_wait3A_26 = arith.constant 0 : i32
        %dma_wait3A_27 = tpu.memref_slice %arg5[%add3A_11, %dma_wait3A_26] : memref<320000x128xf32, #tpu.memory_space<hbm>> -> memref<80x128xf32, #tpu.memory_space<hbm>>
        %dma_wait3A_28 = arith.constant 0 : i32
        %dma_wait3A_29 = tpu.memref_slice %arg5[%add3A_11, %dma_wait3A_28] : memref<320000x128xf32, #tpu.memory_space<hbm>> -> memref<80x128xf32, #tpu.memory_space<hbm>>
        tpu.wait_dma2 semaphore(%run_scoped3A : memref<!tpu.dma_semaphore, #tpu.memory_space<semaphore_mem>>) src(%arg9 : memref<80x128xf32, #tpu.memory_space<vmem>>) dst(%dma_wait3A_29 : memref<80x128xf32, #tpu.memory_space<hbm>>)
        tpu.yield
      }) : () -> ()
      "tpu.region"() ({
        %run_scoped3A = tpu.sem_alloc : memref<!tpu.dma_semaphore, #tpu.memory_space<semaphore_mem>>
        %dma_start3A_22 = arith.constant 0 : i32
        %dma_start3A_23 = tpu.memref_slice %arg6[%add3A_11, %dma_start3A_22] : memref<320000x128xf32, #tpu.memory_space<hbm>> -> memref<80x128xf32, #tpu.memory_space<hbm>>
        %dma_start3A_24 = arith.constant 0 : i32
        %dma_start3A_25 = tpu.memref_slice %arg6[%add3A_11, %dma_start3A_24] : memref<320000x128xf32, #tpu.memory_space<hbm>> -> memref<80x128xf32, #tpu.memory_space<hbm>>
        tpu.enqueue_dma source(%arg10 : memref<80x128xf32, #tpu.memory_space<vmem>>) target(%dma_start3A_25 : memref<80x128xf32, #tpu.memory_space<hbm>>) target_semaphore(%run_scoped3A : memref<!tpu.dma_semaphore, #tpu.memory_space<semaphore_mem>>)
        %dma_wait3A_26 = arith.constant 0 : i32
        %dma_wait3A_27 = tpu.memref_slice %arg6[%add3A_11, %dma_wait3A_26] : memref<320000x128xf32, #tpu.memory_space<hbm>> -> memref<80x128xf32, #tpu.memory_space<hbm>>
        %dma_wait3A_28 = arith.constant 0 : i32
        %dma_wait3A_29 = tpu.memref_slice %arg6[%add3A_11, %dma_wait3A_28] : memref<320000x128xf32, #tpu.memory_space<hbm>> -> memref<80x128xf32, #tpu.memory_space<hbm>>
        tpu.wait_dma2 semaphore(%run_scoped3A : memref<!tpu.dma_semaphore, #tpu.memory_space<semaphore_mem>>) src(%arg10 : memref<80x128xf32, #tpu.memory_space<vmem>>) dst(%dma_wait3A_29 : memref<80x128xf32, #tpu.memory_space<hbm>>)
        tpu.yield
      }) : () -> ()
    }
    %scan3A_5 = arith.constant 125 : i32
    return
  }
}

module attributes {stable_mosaic.version = 14 : i64} {
  func.func @_pre_body(%arg0: i32, %arg1: memref<1000x128xf32, #tpu.memory_space<vmem>>, %arg2: memref<1000x128xf32, #tpu.memory_space<vmem>>, %arg3: memref<128x128xf32, #tpu.memory_space<vmem>>, %arg4: memref<1x128xf32, #tpu.memory_space<vmem>>, %arg5: memref<128x128xf32, #tpu.memory_space<vmem>>, %arg6: memref<1x128xf32, #tpu.memory_space<vmem>>, %arg7: memref<128x128xf32, #tpu.memory_space<vmem>>, %arg8: memref<1000x128xf32, #tpu.memory_space<vmem>>) attributes {dimension_semantics = [#tpu.dimension_semantics<arbitrary>], iteration_bounds = array<i64: 10>, scalar_prefetch = 0 : i64, scratch_operands = 0 : i64, tpu.core_type = #tpu.core_type<tc>, window_params = [{transform_indices = @transform_0, window_bounds = array<i64: 1000, 128>}, {transform_indices = @transform_1, window_bounds = array<i64: 1000, 128>}, {pipeline_mode = #tpu.pipeline_mode<synchronous>, transform_indices = @transform_2, window_bounds = array<i64: 128, 128>}, {pipeline_mode = #tpu.pipeline_mode<synchronous>, transform_indices = @transform_3, window_bounds = array<i64: 1, 128>}, {pipeline_mode = #tpu.pipeline_mode<synchronous>, transform_indices = @transform_4, window_bounds = array<i64: 128, 128>}, {pipeline_mode = #tpu.pipeline_mode<synchronous>, transform_indices = @transform_5, window_bounds = array<i64: 1, 128>}, {pipeline_mode = #tpu.pipeline_mode<synchronous>, transform_indices = @transform_6, window_bounds = array<i64: 128, 128>}, {transform_indices = @transform_7, window_bounds = array<i64: 1000, 128>}]} {
    %get3A = arith.constant 0 : index
    %get3A_0 = arith.constant 0 : index
    %get3A_1 = vector.load %arg2[%get3A, %get3A_0] : memref<1000x128xf32, #tpu.memory_space<vmem>>, vector<1000x128xf32>
    %logistic3A = arith.negf %get3A_1 : vector<1000x128xf32>
    %logistic3A_2 = math.exp %logistic3A : vector<1000x128xf32>
    %logistic3A_3 = arith.constant 1.000000e+00 : f32
    %logistic3A_4 = vector.broadcast %logistic3A_3 : f32 to vector<1000x128xf32>
    %logistic3A_5 = arith.addf %logistic3A_4, %logistic3A_2 : vector<1000x128xf32>
    %logistic3A_6 = arith.divf %logistic3A_4, %logistic3A_5 : vector<1000x128xf32>
    %mul3A = arith.mulf %get3A_1, %logistic3A_6 : vector<1000x128xf32>
    %get3A_7 = arith.constant 0 : index
    %get3A_8 = arith.constant 0 : index
    %get3A_9 = vector.load %arg5[%get3A_7, %get3A_8] : memref<128x128xf32, #tpu.memory_space<vmem>>, vector<128x128xf32>
    %dot_general3A = arith.constant dense<0.000000e+00> : vector<1000x128xf32>
    %dot_general3A_10 = tpu.matmul %mul3A, %get3A_9, %dot_general3A {dimension_numbers = #tpu.dot_dimension_numbers<[1], [0], [0], [1], [0, 0, 1, 1], [], []>, transpose_lhs_hint = false} : vector<1000x128xf32>, vector<128x128xf32>, vector<1000x128xf32> -> vector<1000x128xf32>
    %get3A_11 = arith.constant 0 : index
    %get3A_12 = arith.constant 0 : index
    %get3A_13 = vector.load %arg1[%get3A_11, %get3A_12] : memref<1000x128xf32, #tpu.memory_space<vmem>>, vector<1000x128xf32>
    %get3A_14 = arith.constant 0 : index
    %get3A_15 = arith.constant 0 : index
    %get3A_16 = vector.load %arg3[%get3A_14, %get3A_15] : memref<128x128xf32, #tpu.memory_space<vmem>>, vector<128x128xf32>
    %dot_general3A_17 = arith.constant dense<0.000000e+00> : vector<1000x128xf32>
    %dot_general3A_18 = tpu.matmul %get3A_13, %get3A_16, %dot_general3A_17 {dimension_numbers = #tpu.dot_dimension_numbers<[1], [0], [0], [1], [0, 0, 1, 1], [], []>, transpose_lhs_hint = false} : vector<1000x128xf32>, vector<128x128xf32>, vector<1000x128xf32> -> vector<1000x128xf32>
    %get3A_19 = arith.constant 0 : index
    %get3A_20 = arith.constant 0 : index
    %get3A_21 = vector.load %arg4[%get3A_19, %get3A_20] : memref<1x128xf32, #tpu.memory_space<vmem>>, vector<1x128xf32>
    %add3A = vector.broadcast %get3A_21 : vector<1x128xf32> to vector<1000x128xf32>
    %add3A_22 = arith.addf %dot_general3A_18, %add3A : vector<1000x128xf32>
    %add3A_23 = arith.addf %add3A_22, %dot_general3A_10 : vector<1000x128xf32>
    %get3A_24 = arith.constant 0 : index
    %get3A_25 = arith.constant 0 : index
    %get3A_26 = vector.load %arg6[%get3A_24, %get3A_25] : memref<1x128xf32, #tpu.memory_space<vmem>>, vector<1x128xf32>
    %add3A_27 = vector.broadcast %get3A_26 : vector<1x128xf32> to vector<1000x128xf32>
    %add3A_28 = arith.addf %add3A_23, %add3A_27 : vector<1000x128xf32>
    %get3A_29 = arith.constant 0 : index
    %get3A_30 = arith.constant 0 : index
    %get3A_31 = vector.load %arg7[%get3A_29, %get3A_30] : memref<128x128xf32, #tpu.memory_space<vmem>>, vector<128x128xf32>
    %dot_general3A_32 = arith.constant dense<0.000000e+00> : vector<1000x128xf32>
    %dot_general3A_33 = tpu.matmul %add3A_28, %get3A_31, %dot_general3A_32 {dimension_numbers = #tpu.dot_dimension_numbers<[1], [0], [0], [1], [0, 0, 1, 1], [], []>, transpose_lhs_hint = false} : vector<1000x128xf32>, vector<128x128xf32>, vector<1000x128xf32> -> vector<1000x128xf32>
    %swap3A = arith.constant 0 : index
    %swap3A_34 = arith.constant 0 : index
    %swap3A_35 = vector.load %arg8[%swap3A, %swap3A_34] : memref<1000x128xf32, #tpu.memory_space<vmem>>, vector<1000x128xf32>
    tpu.vector_store %arg8[%swap3A, %swap3A_34], %dot_general3A_33 {strides = array<i32>} : memref<1000x128xf32, #tpu.memory_space<vmem>>, vector<1000x128xf32>,
    return
  }
  func.func @transform_0(%arg0: i32) -> (i32, i32) {
    %c0_i32 = arith.constant 0 : i32
    %c0_i32_0 = arith.constant 0 : i32
    return %arg0, %c0_i32 : i32, i32
  }
  func.func @transform_1(%arg0: i32) -> (i32, i32) {
    %c0_i32 = arith.constant 0 : i32
    %c0_i32_0 = arith.constant 0 : i32
    return %arg0, %c0_i32 : i32, i32
  }
  func.func @transform_2(%arg0: i32) -> (i32, i32) {
    %c0_i32 = arith.constant 0 : i32
    %c0_i32_0 = arith.constant 0 : i32
    %c0_i32_1 = arith.constant 0 : i32
    return %c0_i32, %c0_i32_0 : i32, i32
  }
  func.func @transform_3(%arg0: i32) -> (i32, i32) {
    %c0_i32 = arith.constant 0 : i32
    %c0_i32_0 = arith.constant 0 : i32
    %c0_i32_1 = arith.constant 0 : i32
    return %c0_i32, %c0_i32_0 : i32, i32
  }
  func.func @transform_4(%arg0: i32) -> (i32, i32) {
    %c0_i32 = arith.constant 0 : i32
    %c0_i32_0 = arith.constant 0 : i32
    %c0_i32_1 = arith.constant 0 : i32
    return %c0_i32, %c0_i32_0 : i32, i32
  }
  func.func @transform_5(%arg0: i32) -> (i32, i32) {
    %c0_i32 = arith.constant 0 : i32
    %c0_i32_0 = arith.constant 0 : i32
    %c0_i32_1 = arith.constant 0 : i32
    return %c0_i32, %c0_i32_0 : i32, i32
  }
  func.func @transform_6(%arg0: i32) -> (i32, i32) {
    %c0_i32 = arith.constant 0 : i32
    %c0_i32_0 = arith.constant 0 : i32
    %c0_i32_1 = arith.constant 0 : i32
    return %c0_i32, %c0_i32_0 : i32, i32
  }
  func.func @transform_7(%arg0: i32) -> (i32, i32) {
    %c0_i32 = arith.constant 0 : i32
    %c0_i32_0 = arith.constant 0 : i32
    return %arg0, %c0_i32 : i32, i32
  }
}

module attributes {stable_mosaic.version = 14 : i64} {
  func.func @_edge_body(%arg0: i32, %arg1: memref<1280x128xf32, #tpu.memory_space<vmem>>, %arg2: memref<1280x128xf32, #tpu.memory_space<vmem>>, %arg3: memref<1280x1xf32, #tpu.memory_space<vmem>>, %arg4: memref<128x128xf32, #tpu.memory_space<vmem>>, %arg5: memref<128x128xf32, #tpu.memory_space<vmem>>, %arg6: memref<1x128xf32, #tpu.memory_space<vmem>>, %arg7: memref<128x1xf32, #tpu.memory_space<vmem>>, %arg8: memref<1x1xf32, #tpu.memory_space<vmem>>, %arg9: memref<128x128xf32, #tpu.memory_space<vmem>>, %arg10: memref<128x128xf32, #tpu.memory_space<vmem>>, %arg11: memref<1x128xf32, #tpu.memory_space<vmem>>, %arg12: memref<128x128xf32, #tpu.memory_space<vmem>>, %arg13: memref<1x128xf32, #tpu.memory_space<vmem>>, %arg14: memref<1280x128xf32, #tpu.memory_space<vmem>>) attributes {dimension_semantics = [#tpu.dimension_semantics<arbitrary>], iteration_bounds = array<i64: 250>, scalar_prefetch = 0 : i64, scratch_operands = 0 : i64, tpu.core_type = #tpu.core_type<tc>, window_params = [{transform_indices = @transform_0, window_bounds = array<i64: 1280, 128>}, {transform_indices = @transform_1, window_bounds = array<i64: 1280, 128>}, {transform_indices = @transform_2, window_bounds = array<i64: 1280, 1>}, {pipeline_mode = #tpu.pipeline_mode<synchronous>, transform_indices = @transform_3, window_bounds = array<i64: 128, 128>}, {pipeline_mode = #tpu.pipeline_mode<synchronous>, transform_indices = @transform_4, window_bounds = array<i64: 128, 128>}, {pipeline_mode = #tpu.pipeline_mode<synchronous>, transform_indices = @transform_5, window_bounds = array<i64: 1, 128>}, {pipeline_mode = #tpu.pipeline_mode<synchronous>, transform_indices = @transform_6, window_bounds = array<i64: 128, 1>}, {pipeline_mode = #tpu.pipeline_mode<synchronous>, transform_indices = @transform_7, window_bounds = array<i64: 1, 1>}, {pipeline_mode = #tpu.pipeline_mode<synchronous>, transform_indices = @transform_8, window_bounds = array<i64: 128, 128>}, {pipeline_mode = #tpu.pipeline_mode<synchronous>, transform_indices = @transform_9, window_bounds = array<i64: 128, 128>}, {pipeline_mode = #tpu.pipeline_mode<synchronous>, transform_indices = @transform_10, window_bounds = array<i64: 1, 128>}, {pipeline_mode = #tpu.pipeline_mode<synchronous>, transform_indices = @transform_11, window_bounds = array<i64: 128, 128>}, {pipeline_mode = #tpu.pipeline_mode<synchronous>, transform_indices = @transform_12, window_bounds = array<i64: 1, 128>}, {transform_indices = @transform_13, window_bounds = array<i64: 1280, 128>}]} {
    %get3A = arith.constant 0 : index
    %get3A_0 = arith.constant 0 : index
    %get3A_1 = vector.load %arg1[%get3A, %get3A_0] : memref<1280x128xf32, #tpu.memory_space<vmem>>, vector<1280x128xf32>
    %get3A_2 = arith.constant 0 : index
    %get3A_3 = arith.constant 0 : index
    %get3A_4 = vector.load %arg2[%get3A_2, %get3A_3] : memref<1280x128xf32, #tpu.memory_space<vmem>>, vector<1280x128xf32>
    %get3A_5 = arith.constant 0 : index
    %get3A_6 = arith.constant 0 : index
    %get3A_7 = vector.load %arg4[%get3A_5, %get3A_6] : memref<128x128xf32, #tpu.memory_space<vmem>>, vector<128x128xf32>
    %dot_general3A = arith.constant dense<0.000000e+00> : vector<1280x128xf32>
    %dot_general3A_8 = tpu.matmul %get3A_1, %get3A_7, %dot_general3A {dimension_numbers = #tpu.dot_dimension_numbers<[1], [0], [0], [1], [0, 0, 1, 1], [], []>, transpose_lhs_hint = false} : vector<1280x128xf32>, vector<128x128xf32>, vector<1280x128xf32> -> vector<1280x128xf32>
    %get3A_9 = arith.constant 0 : index
    %get3A_10 = arith.constant 0 : index
    %get3A_11 = vector.load %arg5[%get3A_9, %get3A_10] : memref<128x128xf32, #tpu.memory_space<vmem>>, vector<128x128xf32>
    %dot_general3A_12 = arith.constant dense<0.000000e+00> : vector<1280x128xf32>
    %dot_general3A_13 = tpu.matmul %get3A_4, %get3A_11, %dot_general3A_12 {dimension_numbers = #tpu.dot_dimension_numbers<[1], [0], [0], [1], [0, 0, 1, 1], [], []>, transpose_lhs_hint = false} : vector<1280x128xf32>, vector<128x128xf32>, vector<1280x128xf32> -> vector<1280x128xf32>
    %add3A = arith.addf %dot_general3A_8, %dot_general3A_13 : vector<1280x128xf32>
    %get3A_14 = arith.constant 0 : index
    %get3A_15 = arith.constant 0 : index
    %get3A_16 = vector.load %arg6[%get3A_14, %get3A_15] : memref<1x128xf32, #tpu.memory_space<vmem>>, vector<1x128xf32>
    %add3A_17 = vector.broadcast %get3A_16 : vector<1x128xf32> to vector<1280x128xf32>
    %add3A_18 = arith.addf %add3A, %add3A_17 : vector<1280x128xf32>
    %logistic3A = arith.negf %add3A_18 : vector<1280x128xf32>
    %logistic3A_19 = math.exp %logistic3A : vector<1280x128xf32>
    %logistic3A_20 = arith.constant 1.000000e+00 : f32
    %logistic3A_21 = vector.broadcast %logistic3A_20 : f32 to vector<1280x128xf32>
    %logistic3A_22 = arith.addf %logistic3A_21, %logistic3A_19 : vector<1280x128xf32>
    %logistic3A_23 = arith.divf %logistic3A_21, %logistic3A_22 : vector<1280x128xf32>
    %mul3A = arith.mulf %add3A_18, %logistic3A_23 : vector<1280x128xf32>
    %get3A_24 = arith.constant 0 : index
    %get3A_25 = arith.constant 0 : index
    %get3A_26 = vector.load %arg7[%get3A_24, %get3A_25] : memref<128x1xf32, #tpu.memory_space<vmem>>, vector<128x1xf32>
    %dot_general3A_27 = arith.constant dense<0.000000e+00> : vector<1280x1xf32>
    %dot_general3A_28 = tpu.matmul %mul3A, %get3A_26, %dot_general3A_27 {dimension_numbers = #tpu.dot_dimension_numbers<[1], [0], [0], [1], [0, 0, 1, 1], [], []>, transpose_lhs_hint = false} : vector<1280x128xf32>, vector<128x1xf32>, vector<1280x1xf32> -> vector<1280x1xf32>
    %get3A_29 = arith.constant 0 : index
    %get3A_30 = arith.constant 0 : index
    %get3A_31 = vector.load %arg8[%get3A_29, %get3A_30] : memref<1x1xf32, #tpu.memory_space<vmem>>, vector<1x1xf32>
    %add3A_32 = vector.broadcast %get3A_31 : vector<1x1xf32> to vector<1280x1xf32>
    %add3A_33 = arith.addf %dot_general3A_28, %add3A_32 : vector<1280x1xf32>
    %logistic3A_34 = arith.negf %add3A_33 : vector<1280x1xf32>
    %logistic3A_35 = math.exp %logistic3A_34 : vector<1280x1xf32>
    %logistic3A_36 = arith.constant 1.000000e+00 : f32
    %logistic3A_37 = vector.broadcast %logistic3A_36 : f32 to vector<1280x1xf32>
    %logistic3A_38 = arith.addf %logistic3A_37, %logistic3A_35 : vector<1280x1xf32>
    %logistic3A_39 = arith.divf %logistic3A_37, %logistic3A_38 : vector<1280x1xf32>
    %get3A_40 = arith.constant 0 : index
    %get3A_41 = arith.constant 0 : index
    %get3A_42 = vector.load %arg3[%get3A_40, %get3A_41] : memref<1280x1xf32, #tpu.memory_space<vmem>>, vector<1280x1xf32>
    %mul3A_43 = arith.mulf %logistic3A_39, %get3A_42 : vector<1280x1xf32>
    %get3A_44 = arith.constant 0 : index
    %get3A_45 = arith.constant 0 : index
    %get3A_46 = vector.load %arg9[%get3A_44, %get3A_45] : memref<128x128xf32, #tpu.memory_space<vmem>>, vector<128x128xf32>
    %dot_general3A_47 = arith.constant dense<0.000000e+00> : vector<1280x128xf32>
    %dot_general3A_48 = tpu.matmul %get3A_1, %get3A_46, %dot_general3A_47 {dimension_numbers = #tpu.dot_dimension_numbers<[1], [0], [0], [1], [0, 0, 1, 1], [], []>, transpose_lhs_hint = false} : vector<1280x128xf32>, vector<128x128xf32>, vector<1280x128xf32> -> vector<1280x128xf32>
    %get3A_49 = arith.constant 0 : index
    %get3A_50 = arith.constant 0 : index
    %get3A_51 = vector.load %arg10[%get3A_49, %get3A_50] : memref<128x128xf32, #tpu.memory_space<vmem>>, vector<128x128xf32>
    %dot_general3A_52 = arith.constant dense<0.000000e+00> : vector<1280x128xf32>
    %dot_general3A_53 = tpu.matmul %get3A_4, %get3A_51, %dot_general3A_52 {dimension_numbers = #tpu.dot_dimension_numbers<[1], [0], [0], [1], [0, 0, 1, 1], [], []>, transpose_lhs_hint = false} : vector<1280x128xf32>, vector<128x128xf32>, vector<1280x128xf32> -> vector<1280x128xf32>
    %add3A_54 = arith.addf %dot_general3A_48, %dot_general3A_53 : vector<1280x128xf32>
    %get3A_55 = arith.constant 0 : index
    %get3A_56 = arith.constant 0 : index
    %get3A_57 = vector.load %arg11[%get3A_55, %get3A_56] : memref<1x128xf32, #tpu.memory_space<vmem>>, vector<1x128xf32>
    %add3A_58 = vector.broadcast %get3A_57 : vector<1x128xf32> to vector<1280x128xf32>
    %add3A_59 = arith.addf %add3A_54, %add3A_58 : vector<1280x128xf32>
    %logistic3A_60 = arith.negf %add3A_59 : vector<1280x128xf32>
    %logistic3A_61 = math.exp %logistic3A_60 : vector<1280x128xf32>
    %logistic3A_62 = arith.constant 1.000000e+00 : f32
    %logistic3A_63 = vector.broadcast %logistic3A_62 : f32 to vector<1280x128xf32>
    %logistic3A_64 = arith.addf %logistic3A_63, %logistic3A_61 : vector<1280x128xf32>
    %logistic3A_65 = arith.divf %logistic3A_63, %logistic3A_64 : vector<1280x128xf32>
    %mul3A_66 = arith.mulf %add3A_59, %logistic3A_65 : vector<1280x128xf32>
    %get3A_67 = arith.constant 0 : index
    %get3A_68 = arith.constant 0 : index
    %get3A_69 = vector.load %arg12[%get3A_67, %get3A_68] : memref<128x128xf32, #tpu.memory_space<vmem>>, vector<128x128xf32>
    %dot_general3A_70 = arith.constant dense<0.000000e+00> : vector<1280x128xf32>
    %dot_general3A_71 = tpu.matmul %mul3A_66, %get3A_69, %dot_general3A_70 {dimension_numbers = #tpu.dot_dimension_numbers<[1], [0], [0], [1], [0, 0, 1, 1], [], []>, transpose_lhs_hint = false} : vector<1280x128xf32>, vector<128x128xf32>, vector<1280x128xf32> -> vector<1280x128xf32>
    %get3A_72 = arith.constant 0 : index
    %get3A_73 = arith.constant 0 : index
    %get3A_74 = vector.load %arg13[%get3A_72, %get3A_73] : memref<1x128xf32, #tpu.memory_space<vmem>>, vector<1x128xf32>
    %add3A_75 = vector.broadcast %get3A_74 : vector<1x128xf32> to vector<1280x128xf32>
    %add3A_76 = arith.addf %dot_general3A_71, %add3A_75 : vector<1280x128xf32>
    %logistic3A_77 = arith.negf %add3A_76 : vector<1280x128xf32>
    %logistic3A_78 = math.exp %logistic3A_77 : vector<1280x128xf32>
    %logistic3A_79 = arith.constant 1.000000e+00 : f32
    %logistic3A_80 = vector.broadcast %logistic3A_79 : f32 to vector<1280x128xf32>
    %logistic3A_81 = arith.addf %logistic3A_80, %logistic3A_78 : vector<1280x128xf32>
    %logistic3A_82 = arith.divf %logistic3A_80, %logistic3A_81 : vector<1280x128xf32>
    %mul3A_83 = arith.mulf %add3A_76, %logistic3A_82 : vector<1280x128xf32>
    %mul3A_84 = vector.broadcast %mul3A_43 : vector<1280x1xf32> to vector<1280x128xf32>
    %mul3A_85 = arith.mulf %mul3A_83, %mul3A_84 : vector<1280x128xf32>
    %swap3A = arith.constant 0 : index
    %swap3A_86 = arith.constant 0 : index
    %swap3A_87 = vector.load %arg14[%swap3A, %swap3A_86] : memref<1280x128xf32, #tpu.memory_space<vmem>>, vector<1280x128xf32>
    tpu.vector_store %arg14[%swap3A, %swap3A_86], %mul3A_85 {strides = array<i32>} : memref<1280x128xf32, #tpu.memory_space<vmem>>, vector<1280x128xf32>,
    return
  }
  func.func @transform_0(%arg0: i32) -> (i32, i32) {
    %c0_i32 = arith.constant 0 : i32
    %c0_i32_0 = arith.constant 0 : i32
    return %arg0, %c0_i32 : i32, i32
  }
  func.func @transform_1(%arg0: i32) -> (i32, i32) {
    %c0_i32 = arith.constant 0 : i32
    %c0_i32_0 = arith.constant 0 : i32
    return %arg0, %c0_i32 : i32, i32
  }
  func.func @transform_2(%arg0: i32) -> (i32, i32) {
    %c0_i32 = arith.constant 0 : i32
    %c0_i32_0 = arith.constant 0 : i32
    return %arg0, %c0_i32 : i32, i32
  }
  func.func @transform_3(%arg0: i32) -> (i32, i32) {
    %c0_i32 = arith.constant 0 : i32
    %c0_i32_0 = arith.constant 0 : i32
    %c0_i32_1 = arith.constant 0 : i32
    return %c0_i32, %c0_i32_0 : i32, i32
  }
  func.func @transform_4(%arg0: i32) -> (i32, i32) {
    %c0_i32 = arith.constant 0 : i32
    %c0_i32_0 = arith.constant 0 : i32
    %c0_i32_1 = arith.constant 0 : i32
    return %c0_i32, %c0_i32_0 : i32, i32
  }
  func.func @transform_5(%arg0: i32) -> (i32, i32) {
    %c0_i32 = arith.constant 0 : i32
    %c0_i32_0 = arith.constant 0 : i32
    %c0_i32_1 = arith.constant 0 : i32
    return %c0_i32, %c0_i32_0 : i32, i32
  }
  func.func @transform_6(%arg0: i32) -> (i32, i32) {
    %c0_i32 = arith.constant 0 : i32
    %c0_i32_0 = arith.constant 0 : i32
    %c0_i32_1 = arith.constant 0 : i32
    return %c0_i32, %c0_i32_0 : i32, i32
  }
  func.func @transform_7(%arg0: i32) -> (i32, i32) {
    %c0_i32 = arith.constant 0 : i32
    %c0_i32_0 = arith.constant 0 : i32
    %c0_i32_1 = arith.constant 0 : i32
    return %c0_i32, %c0_i32_0 : i32, i32
  }
  func.func @transform_8(%arg0: i32) -> (i32, i32) {
    %c0_i32 = arith.constant 0 : i32
    %c0_i32_0 = arith.constant 0 : i32
    %c0_i32_1 = arith.constant 0 : i32
    return %c0_i32, %c0_i32_0 : i32, i32
  }
  func.func @transform_9(%arg0: i32) -> (i32, i32) {
    %c0_i32 = arith.constant 0 : i32
    %c0_i32_0 = arith.constant 0 : i32
    %c0_i32_1 = arith.constant 0 : i32
    return %c0_i32, %c0_i32_0 : i32, i32
  }
  func.func @transform_10(%arg0: i32) -> (i32, i32) {
    %c0_i32 = arith.constant 0 : i32
    %c0_i32_0 = arith.constant 0 : i32
    %c0_i32_1 = arith.constant 0 : i32
    return %c0_i32, %c0_i32_0 : i32, i32
  }
  func.func @transform_11(%arg0: i32) -> (i32, i32) {
    %c0_i32 = arith.constant 0 : i32
    %c0_i32_0 = arith.constant 0 : i32
    %c0_i32_1 = arith.constant 0 : i32
    return %c0_i32, %c0_i32_0 : i32, i32
  }
  func.func @transform_12(%arg0: i32) -> (i32, i32) {
    %c0_i32 = arith.constant 0 : i32
    %c0_i32_0 = arith.constant 0 : i32
    %c0_i32_1 = arith.constant 0 : i32
    return %c0_i32, %c0_i32_0 : i32, i32
  }
  func.func @transform_13(%arg0: i32) -> (i32, i32) {
    %c0_i32 = arith.constant 0 : i32
    %c0_i32_0 = arith.constant 0 : i32
    return %arg0, %c0_i32 : i32, i32
  }
}

module attributes {stable_mosaic.version = 14 : i64} {
  func.func @_node_body(%arg0: i32, %arg1: memref<1000x128xf32, #tpu.memory_space<vmem>>, %arg2: memref<1000x128xf32, #tpu.memory_space<vmem>>, %arg3: memref<1000x128xf32, #tpu.memory_space<vmem>>, %arg4: memref<1000x1xf32, #tpu.memory_space<vmem>>, %arg5: memref<128x128xf32, #tpu.memory_space<vmem>>, %arg6: memref<128x128xf32, #tpu.memory_space<vmem>>, %arg7: memref<1x128xf32, #tpu.memory_space<vmem>>, %arg8: memref<128x128xf32, #tpu.memory_space<vmem>>, %arg9: memref<1x128xf32, #tpu.memory_space<vmem>>, %arg10: memref<1000x128xf32, #tpu.memory_space<vmem>>) attributes {dimension_semantics = [#tpu.dimension_semantics<arbitrary>], iteration_bounds = array<i64: 10>, scalar_prefetch = 0 : i64, scratch_operands = 0 : i64, tpu.core_type = #tpu.core_type<tc>, window_params = [{transform_indices = @transform_0, window_bounds = array<i64: 1000, 128>}, {transform_indices = @transform_1, window_bounds = array<i64: 1000, 128>}, {transform_indices = @transform_2, window_bounds = array<i64: 1000, 128>}, {transform_indices = @transform_3, window_bounds = array<i64: 1000, 1>}, {pipeline_mode = #tpu.pipeline_mode<synchronous>, transform_indices = @transform_4, window_bounds = array<i64: 128, 128>}, {pipeline_mode = #tpu.pipeline_mode<synchronous>, transform_indices = @transform_5, window_bounds = array<i64: 128, 128>}, {pipeline_mode = #tpu.pipeline_mode<synchronous>, transform_indices = @transform_6, window_bounds = array<i64: 1, 128>}, {pipeline_mode = #tpu.pipeline_mode<synchronous>, transform_indices = @transform_7, window_bounds = array<i64: 128, 128>}, {pipeline_mode = #tpu.pipeline_mode<synchronous>, transform_indices = @transform_8, window_bounds = array<i64: 1, 128>}, {transform_indices = @transform_9, window_bounds = array<i64: 1000, 128>}]} {
    %get3A = arith.constant 0 : index
    %get3A_0 = arith.constant 0 : index
    %get3A_1 = vector.load %arg1[%get3A, %get3A_0] : memref<1000x128xf32, #tpu.memory_space<vmem>>, vector<1000x128xf32>
    %get3A_2 = arith.constant 0 : index
    %get3A_3 = arith.constant 0 : index
    %get3A_4 = vector.load %arg2[%get3A_2, %get3A_3] : memref<1000x128xf32, #tpu.memory_space<vmem>>, vector<1000x128xf32>
    %get3A_5 = arith.constant 0 : index
    %get3A_6 = arith.constant 0 : index
    %get3A_7 = vector.load %arg3[%get3A_5, %get3A_6] : memref<1000x128xf32, #tpu.memory_space<vmem>>, vector<1000x128xf32>
    %add3A = arith.addf %get3A_4, %get3A_7 : vector<1000x128xf32>
    %get3A_8 = arith.constant 0 : index
    %get3A_9 = arith.constant 0 : index
    %get3A_10 = vector.load %arg5[%get3A_8, %get3A_9] : memref<128x128xf32, #tpu.memory_space<vmem>>, vector<128x128xf32>
    %dot_general3A = arith.constant dense<0.000000e+00> : vector<1000x128xf32>
    %dot_general3A_11 = tpu.matmul %get3A_1, %get3A_10, %dot_general3A {dimension_numbers = #tpu.dot_dimension_numbers<[1], [0], [0], [1], [0, 0, 1, 1], [], []>, transpose_lhs_hint = false} : vector<1000x128xf32>, vector<128x128xf32>, vector<1000x128xf32> -> vector<1000x128xf32>
    %get3A_12 = arith.constant 0 : index
    %get3A_13 = arith.constant 0 : index
    %get3A_14 = vector.load %arg6[%get3A_12, %get3A_13] : memref<128x128xf32, #tpu.memory_space<vmem>>, vector<128x128xf32>
    %dot_general3A_15 = arith.constant dense<0.000000e+00> : vector<1000x128xf32>
    %dot_general3A_16 = tpu.matmul %add3A, %get3A_14, %dot_general3A_15 {dimension_numbers = #tpu.dot_dimension_numbers<[1], [0], [0], [1], [0, 0, 1, 1], [], []>, transpose_lhs_hint = false} : vector<1000x128xf32>, vector<128x128xf32>, vector<1000x128xf32> -> vector<1000x128xf32>
    %add3A_17 = arith.addf %dot_general3A_11, %dot_general3A_16 : vector<1000x128xf32>
    %get3A_18 = arith.constant 0 : index
    %get3A_19 = arith.constant 0 : index
    %get3A_20 = vector.load %arg7[%get3A_18, %get3A_19] : memref<1x128xf32, #tpu.memory_space<vmem>>, vector<1x128xf32>
    %add3A_21 = vector.broadcast %get3A_20 : vector<1x128xf32> to vector<1000x128xf32>
    %add3A_22 = arith.addf %add3A_17, %add3A_21 : vector<1000x128xf32>
    %logistic3A = arith.negf %add3A_22 : vector<1000x128xf32>
    %logistic3A_23 = math.exp %logistic3A : vector<1000x128xf32>
    %logistic3A_24 = arith.constant 1.000000e+00 : f32
    %logistic3A_25 = vector.broadcast %logistic3A_24 : f32 to vector<1000x128xf32>
    %logistic3A_26 = arith.addf %logistic3A_25, %logistic3A_23 : vector<1000x128xf32>
    %logistic3A_27 = arith.divf %logistic3A_25, %logistic3A_26 : vector<1000x128xf32>
    %mul3A = arith.mulf %add3A_22, %logistic3A_27 : vector<1000x128xf32>
    %get3A_28 = arith.constant 0 : index
    %get3A_29 = arith.constant 0 : index
    %get3A_30 = vector.load %arg8[%get3A_28, %get3A_29] : memref<128x128xf32, #tpu.memory_space<vmem>>, vector<128x128xf32>
    %dot_general3A_31 = arith.constant dense<0.000000e+00> : vector<1000x128xf32>
    %dot_general3A_32 = tpu.matmul %mul3A, %get3A_30, %dot_general3A_31 {dimension_numbers = #tpu.dot_dimension_numbers<[1], [0], [0], [1], [0, 0, 1, 1], [], []>, transpose_lhs_hint = false} : vector<1000x128xf32>, vector<128x128xf32>, vector<1000x128xf32> -> vector<1000x128xf32>
    %add3A_33 = arith.addf %get3A_1, %dot_general3A_32 : vector<1000x128xf32>
    %get3A_34 = arith.constant 0 : index
    %get3A_35 = arith.constant 0 : index
    %get3A_36 = vector.load %arg9[%get3A_34, %get3A_35] : memref<1x128xf32, #tpu.memory_space<vmem>>, vector<1x128xf32>
    %add3A_37 = vector.broadcast %get3A_36 : vector<1x128xf32> to vector<1000x128xf32>
    %add3A_38 = arith.addf %add3A_33, %add3A_37 : vector<1000x128xf32>
    %get3A_39 = arith.constant 0 : index
    %get3A_40 = arith.constant 0 : index
    %get3A_41 = vector.load %arg4[%get3A_39, %get3A_40] : memref<1000x1xf32, #tpu.memory_space<vmem>>, vector<1000x1xf32>
    %mul3A_42 = vector.broadcast %get3A_41 : vector<1000x1xf32> to vector<1000x128xf32>
    %mul3A_43 = arith.mulf %add3A_38, %mul3A_42 : vector<1000x128xf32>
    %swap3A = arith.constant 0 : index
    %swap3A_44 = arith.constant 0 : index
    %swap3A_45 = vector.load %arg10[%swap3A, %swap3A_44] : memref<1000x128xf32, #tpu.memory_space<vmem>>, vector<1000x128xf32>
    tpu.vector_store %arg10[%swap3A, %swap3A_44], %mul3A_43 {strides = array<i32>} : memref<1000x128xf32, #tpu.memory_space<vmem>>, vector<1000x128xf32>,
    return
  }
  func.func @transform_0(%arg0: i32) -> (i32, i32) {
    %c0_i32 = arith.constant 0 : i32
    %c0_i32_0 = arith.constant 0 : i32
    return %arg0, %c0_i32 : i32, i32
  }
  func.func @transform_1(%arg0: i32) -> (i32, i32) {
    %c0_i32 = arith.constant 0 : i32
    %c0_i32_0 = arith.constant 0 : i32
    return %arg0, %c0_i32 : i32, i32
  }
  func.func @transform_2(%arg0: i32) -> (i32, i32) {
    %c0_i32 = arith.constant 0 : i32
    %c0_i32_0 = arith.constant 0 : i32
    return %arg0, %c0_i32 : i32, i32
  }
  func.func @transform_3(%arg0: i32) -> (i32, i32) {
    %c0_i32 = arith.constant 0 : i32
    %c0_i32_0 = arith.constant 0 : i32
    return %arg0, %c0_i32 : i32, i32
  }
  func.func @transform_4(%arg0: i32) -> (i32, i32) {
    %c0_i32 = arith.constant 0 : i32
    %c0_i32_0 = arith.constant 0 : i32
    %c0_i32_1 = arith.constant 0 : i32
    return %c0_i32, %c0_i32_0 : i32, i32
  }
  func.func @transform_5(%arg0: i32) -> (i32, i32) {
    %c0_i32 = arith.constant 0 : i32
    %c0_i32_0 = arith.constant 0 : i32
    %c0_i32_1 = arith.constant 0 : i32
    return %c0_i32, %c0_i32_0 : i32, i32
  }
  func.func @transform_6(%arg0: i32) -> (i32, i32) {
    %c0_i32 = arith.constant 0 : i32
    %c0_i32_0 = arith.constant 0 : i32
    %c0_i32_1 = arith.constant 0 : i32
    return %c0_i32, %c0_i32_0 : i32, i32
  }
  func.func @transform_7(%arg0: i32) -> (i32, i32) {
    %c0_i32 = arith.constant 0 : i32
    %c0_i32_0 = arith.constant 0 : i32
    %c0_i32_1 = arith.constant 0 : i32
    return %c0_i32, %c0_i32_0 : i32, i32
  }
  func.func @transform_8(%arg0: i32) -> (i32, i32) {
    %c0_i32 = arith.constant 0 : i32
    %c0_i32_0 = arith.constant 0 : i32
    %c0_i32_1 = arith.constant 0 : i32
    return %c0_i32, %c0_i32_0 : i32, i32
  }
  func.func @transform_9(%arg0: i32) -> (i32, i32) {
    %c0_i32 = arith.constant 0 : i32
    %c0_i32_0 = arith.constant 0 : i32
    return %arg0, %c0_i32 : i32, i32
  }
}

</mosaic_0001>

<sc_bundles>
// kernel: kernel.10.cloned.1.call-start
scs
__scs_entry_jumppad:
0x0: {  	(pc) =	sbr.rel $0x88, $3  }
0x1: {  	(tag) =	ssettag $0x0;
	lr =	simm.s32 $0x1  }
0x2: {  	[smem:$0x3F8B] =	sst lr;
	_ =	strace $0xD0000000  }
0x3: {  	_ = 	snop  }
0x4: {  	_ = 	snop  }
0x5: {  	_ = 	snop  }
0x6: {  	_ = 	snop  }
0x7: {  	_ = 	snop  }
__scs_overlays_trampoline_lowered:
0x8: {  	[smem:$0x3F9A] =	sst s0  }
0x9: {  	[smem:$0x3F9B] =	sst s1  }
0xa: {  	[smem:$0x3F9C] =	sst s2  }
0xb: {  	[smem:$0x3F9D] =	sst s3  }
0xc: {  	[smem:$0x3F9E] =	sst s4  }
0xd: {  	[smem:$0x3F9F] =	sst s5  }
0xe: {  	[smem:$0x3FA0] =	sst s6  }
0xf: {  	[smem:$0x3FA1] =	sst s7  }
0x10: {  	[smem:$0x3FA2] =	sst s8  }
0x11: {  	[smem:$0x3FA3] =	sst s9;
	s0 =	simm.s32 @!p0 $0x0  }
0x12: {  	s1 =	sld [smem:$0x3F89];
	s0 =	simm.s32 @p0 $0x1  }
0x13: {  	[smem:$0x3FA4] =	sst s0;
	s0 =	simm.s32 @!p1 $0x0  }
0x14: {  	s2 =	sld [smem:$0x3F88];
	s0 =	simm.s32 @p1 $0x1  }
0x15: {  	[smem:$0x3FA5] =	sst s0;
	s0 =	simm.s32 @!p2 $0x0  }
0x16: {  	s3 =	sld [smem:$0x3FDB];
	s0 =	simm.s32 @p2 $0x1  }
0x17: {  	s4 =	simm.s32 $0x1BF5;
	[smem:$0x3FA7] =	sst s0  }
0x18: {  	s0 =	sld [smem:$0x3F8A];
	_ =	swait.ge [sflag:s4], $0x0  }
0x19: {  	s7 =	sld [smem:$0x3F8B]  }
0x1a: {  	s8 =	sadd.s32 $0xFFFFE003, lr  }
0x1b: {  	s9 =	sadd.s32 $0xFFFFFEF7, lr;
	s5 =	simm.s32 $0xFFFFFFFF;
	p2 =	slt.u32 s8, $0xFFFFF086  }
0x1c: {  	p1 =	slt.u32 s9, $0xF7A;
	s5 =	simm.s32 @!p2 $0x0  }
0x1d: {  	s5 =	simm.s32 @p1 $0x1;
	p0 =	seq.s32 s7, s2  }
0x1e: {  	s7 =	smul.u32 @!p0 $0xF7A, s2;
	p2 =	seq.s32 @!p0 s5, $0x0  }
0x1f: {  	s9 =	smul.u32 $0xF7A, s1;
	s8 =	simm.s32 @!p0 $0x1BF5;
	p2 =	por !p2, p0  }
0x20: {  	[sflag:s8] =	ssyncset.s32 @!p0 $0xFFFFF086;
	s6 =	sadd.s32 @!p0 s3, s7;
	s7 =	simm.s32 @!p0 $0x108  }
0x21: {  	s3 =	sadd.s32 s3, s9;
	s6 =	sadd.s32 @!p0 $0x88, s6;
	s7 =	simm.s32 @p2 $0x1082  }
0x22: {  	[simem:s7], [sflag:s8] =	dma.local @!p0 [hbm:s6], $0xF7A  }
0x23: {  	s9 =	sor.u32 $0xD0000000, s2;
	s6 =	simm.s32 $0x108;
	_ =	swait.ge @!p0 [sflag:s8], $0x0  }
0x24: {  	s3 =	sadd.s32 $0x88, s3;
	s6 =	simm.s32 @!p1 $0x1082;
	[sflag:s4] =	ssyncset.s32 $0xFFFFF086  }
0x25: {  	[simem:s6], [sflag:s4] =	dma.local [hbm:s3], $0xF7A  }
0x26: {  	[smem:$0x3F8B] =	sst s1;
	(tag) =	ssettag s2;
	_ =	strace s9  }
0x27: {  	s1 =	sld [smem:$0x3F9B]  }
0x28: {  	s2 =	sld [smem:$0x3F9C]  }
0x29: {  	s4 =	sld [smem:$0x3F9E]  }
0x2a: {  	p0 =	seq.s32 s5, $0x0;
	s5 =	sld [smem:$0x3F9F]  }
0x2b: {  	s6 =	sld [smem:$0x3FA0]  }
0x2c: {  	s7 =	sld [smem:$0x3FA1]  }
0x2d: {  	s3 =	simm.s32 $0x108;
	s8 =	sld [smem:$0x3FA2]  }
0x2e: {  	s3 =	simm.s32 @!p0 $0x1082;
	s9 =	sld [smem:$0x3FA3]  }
0x2f: {  	lr =	sadd.s32 s0, s3;
	s0 =	sld [smem:$0x3F9A]  }
0x30: {  	s3 =	sld [smem:$0x3F9D]  }
0x31: {  	[smem:$0x3FA6] =	sst s10  }
0x32: {  	s10 =	sld [smem:$0x3FA4];
	_ =	sdelay $0x3  }
0x33: {  	p0 =	seq.s32 s10, $0x1;
	s10 =	sld [smem:$0x3FA6];
	_ =	sdelay $0x3  }
0x34: {  	[smem:$0x3FA6] =	sst s10  }
0x35: {  	s10 =	sld [smem:$0x3FA5];
	_ =	sdelay $0x3  }
0x36: {  	p1 =	seq.s32 s10, $0x1;
	s10 =	sld [smem:$0x3FA6];
	_ =	sdelay $0x3  }
0x37: {  	[smem:$0x3FA6] =	sst s10  }
0x38: {  	s10 =	sld [smem:$0x3FA7]  }
0x39: {  	_ = 	snop;
	(pc) =	sbr.ind lr, $3  }
0x3a: {  	_ = 	snop  }
0x3b: {  	_ = 	snop  }
0x3c: {  	p2 =	seq.s32 s10, $0x1;
	s10 =	sld [smem:$0x3FA6]  }
0x3d: {  	_ =	shalt  }
0x3e: {  	_ =	shalt  }
0x3f: {  	_ =	shalt  }
0x40: {  	_ =	shalt  }
0x41: {  	_ =	shalt  }
0x42: {  	_ =	shalt  }
0x43: {  	_ =	shalt  }
0x44: {  	_ =	shalt  }
0x45: {  	_ =	shalt  }
0x46: {  	_ =	shalt  }
0x47: {  	_ =	shalt  }
0x48: {  	_ =	shalt  }
0x49: {  	_ =	shalt  }
0x4a: {  	_ =	shalt  }
0x4b: {  	_ =	shalt  }
0x4c: {  	_ =	shalt  }
0x4d: {  	_ =	shalt  }
0x4e: {  	_ =	shalt  }
0x4f: {  	_ =	shalt  }
0x50: {  	_ =	shalt  }
0x51: {  	_ =	shalt  }
0x52: {  	_ =	shalt  }
0x53: {  	_ =	shalt  }
0x54: {  	_ =	shalt  }
0x55: {  	_ =	shalt  }
0x56: {  	_ =	shalt  }
0x57: {  	_ =	shalt  }
0x58: {  	_ =	shalt  }
0x59: {  	_ =	shalt  }
0x5a: {  	_ =	shalt  }
0x5b: {  	_ =	shalt  }
0x5c: {  	_ =	shalt  }
0x5d: {  	_ =	shalt  }
0x5e: {  	_ =	shalt  }
0x5f: {  	_ =	shalt  }
0x60: {  	_ =	shalt  }
0x61: {  	_ =	shalt  }
0x62: {  	_ =	shalt  }
0x63: {  	_ =	shalt  }
0x64: {  	_ =	shalt  }
0x65: {  	_ =	shalt  }
0x66: {  	_ =	shalt  }
0x67: {  	_ =	shalt  }
0x68: {  	_ =	shalt  }
0x69: {  	_ =	shalt  }
0x6a: {  	_ =	shalt  }
0x6b: {  	_ =	shalt  }
0x6c: {  	_ =	shalt  }
0x6d: {  	_ =	shalt  }
0x6e: {  	_ =	shalt  }
0x6f: {  	_ =	shalt  }
0x70: {  	_ =	shalt  }
0x71: {  	_ =	shalt  }
0x72: {  	_ =	shalt  }
0x73: {  	_ =	shalt  }
0x74: {  	_ =	shalt  }
0x75: {  	_ =	shalt  }
0x76: {  	_ =	shalt  }
0x77: {  	_ =	shalt  }
0x78: {  	_ =	shalt  }
0x79: {  	_ =	shalt  }
0x7a: {  	_ =	shalt  }
0x7b: {  	_ =	shalt  }
0x7c: {  	_ =	shalt  }
0x7d: {  	_ =	shalt  }
0x7e: {  	_ =	shalt  }
0x7f: {  	_ =	shalt  }
0x80: {  	_ =	shalt  }
0x81: {  	_ =	shalt  }
0x82: {  	_ =	shalt  }
0x83: {  	_ =	shalt  }
0x84: {  	_ =	shalt  }
0x85: {  	_ =	shalt  }
0x86: {  	_ =	shalt  }
0x87: {  	_ =	shalt  }
.Lfunc_end0:
.L_simem_size_0:
called_computation.1_lowered:
.L_overlay_start_0:
0x88: {  	s2 =	sld [smem:$0x3FD9]  }
0x89: {  	s3 =	sld [smem:$0x3FFE];
	_ =	sdelay $0x1  }
0x8a: {  	s1 =	srdreg.scid  }
0x8b: {  	s0 =	sand.u32 $0x1, s1  }
0x8c: {  	s16 =	sshll.u32 s0, $0xA;
	s2 =	sadd.s32 s3, s2  }
0x8d: {  	s2 =	sadd.s32 s2, s16  }
0x8e: {  	[smem:$0x3FB2] =	sst s2  }
0x8f: {  	_ = 	snop  }
0x90: {  	(tm) =	ssettm $0x1  }
0x91: {  	s17 =	sld [smem:$0x3FFB];
	_ =	sdelay $0x3  }
0x92: {  	_ =	strace s17  }
0x93: {  	s2 =	sld [smem:$0x3FFC];
	_ =	sdelay $0x3  }
0x94: {  	_ =	strace s2  }
0x95: {  	s2 =	sld [smem:$0x3FFD];
	_ =	sdelay $0x3  }
0x96: {  	_ =	strace s2  }
0x97: {  	_ =	strace $0x8FFFFFFF  }
0x98: {  	s18 =	sld [smem:$0x3FDB];
	_ =	sdelay $0x1  }
0x99: {  	s19 =	simm.s32 $_scs_section_size  }
0x9a: {  	s4 =	simm.s32 $_size__tile_overlayer_lowered;
	s5 =	simm.s32 $_tile_overlayer_lowered  }
0x9b: {  	s22 =	simm.s32 $0x1BFF;
	s21 =	sshll.u32 s5, $0x1;
	s2 =	sadd.s32 s19, s18  }
0x9c: {  	s6 =	simm.s32 $0x0;
	s20 =	sshll.u32 s4, $0x1;
	s4 =	sadd.s32 s21, s2  }
0x9d: {  	[timem:s6], [sflag:s22] =	dma.local [hbm:s4], s20  }
0x9e: {  	_ =	swait.ge [sflag:s22], s20  }
0x9f: {  	s3 =	ssub.s32 $0x0, s20;
	[sflag:s22] =	ssyncset.done $0x0  }
0xa0: {  	[sflag:s22] =	ssyncadd.s32 s3;
	_ =	sdelay $0x1  }
0xa1: {  	s23 =	simm.s32 $0x1B8B  }
0xa2: {  	_ =	swait.ge [sflag:s23], $0x1  }
0xa3: {  	[sflag:s23] =	ssyncset.done $0x0  }
0xa4: {  	s25 =	simm.s32 $0x1B8E;
	s24 =	sld [smem:$0x3FFE];
	[sflag:s23] =	ssyncadd.s32 $0xFFFFFFFF  }
0xa5: {  	s26 =	simm.s32 $execute0_lowered;
	[smem:$0x3FD2] =	sst s25  }
0xa6: {  	s4 =	sshll.u32 s26, $0x1;
	_ =	strace $0x80000049;
	[dreg:$0x1] =	wrdreg $0xFFFFFFFF  }
0xa7: {  	s28 =	simm.s32 $_size_execute0_lowered;
	s2 =	sadd.s32 s2, s4;
	[dreg:$0x0] =	wrdreg $0x0  }
0xa8: {  	s4 =	sshll.u32 s28, $0x1;
	[dreg:$0x2] =	wrdreg s2  }
0xa9: {  	[dreg:$0x3] =	wrdreg s4  }
0xaa: {  	[dreg:$0x4] =	wrdreg $0xC0  }
0xab: {  	_ =	task [dreg:s6], $0x5FFFF  }
0xac: {  	[dreg:$0x1] =	wrdreg $0xFFFFFFFF  }
0xad: {  	[dreg:$0x0] =	wrdreg $0x60  }
0xae: {  	[dreg:$0x2] =	wrdreg s24  }
0xaf: {  	[dreg:$0x3] =	wrdreg $0x28800  }
0xb0: {  	[dreg:$0x4] =	wrdreg $0x9  }
0xb1: {  	_ =	task.clear_ibuf [dreg:s6], $0x5FFFF;
	_ =	strace $0x90000049  }
0xb2: {  	s29 =	simm.s32 $0x9;
	_ =	strace $0x8000004B  }
0xb3: {  	_ =	swait.ge [sflag:s29], $0x1  }
0xb4: {  	[sflag:s29] =	ssyncadd.s32 $0xFFFFFFFF  }
0xb5: {  	_ =	strace $0x9000004B  }
0xb6: {  	_ =	sfence  }
0xb7: {  	s30 =	sld [smem:$0x0];
	_ =	sdelay $0x2  }
0xb8: {  	s31 =	sshll.u32 s1, $0xD;
	s1 =	sshrl.u32 s1, $0x2  }
0xb9: {  	s3 =	sand.u32 $0x4000, s31;
	s1 =	sadd.s32 s1, s30  }
0xba: {  	s0 =	sor.u32 s3, s0;
	s1 =	sshll.u32 s1, $0x11  }
0xbb: {  	s0 =	sor.u32 s1, s0  }
0xbc: {  	s0 =	sadd.s32 $0x8F2B, s0  }
0xbd: {  	[sflag:s0] =	ssyncadd.remote.s32 $0x1  }
0xbe: {  	_ =	sfence.sel $0xFFFF  }
0xbf: {  	[dreg:$0x0] =	wrdreg $0xFFFFFFFF;
	(pc) =	sbr.abs _section_cstart, $3  }
0xc0: {  	[dreg:$0x1] =	wrdreg $0xFFFFFFFF  }
0xc1: {  	_ =	task.clear_ibuf [dreg:s6], $0x2FFFF;
	_ =	strace $0x9FFFFFFF  }
0xc2: {  	(tm) =	ssettm $0x7FFFFFFF  }
0xc3: {  	_ =	shalt  }
tec
execute0_lowered:
.L_overlay_start_1:
0x0: {  	(tag) =	ssettag $0x1  }
0x1: {  	s0 =	stileid.u32  }
0x2: {  	s1 =	srdreg.scid;
	s4 =	smul.u32 $0x4E200, s0  }
0x3: {  	s5 =	rddreg [dreg:$0x0];
	s7 =	smul.u32 $0x4E20, s0  }
0x4: {  	s2 =	rddreg [dreg:$0x1];
	s9 =	smul.u32 $0x14000, s0  }
0x5: {  	s3 =	simm.s32 $0x0;
	s6 =	sand.u32 $0x1, s1;
	s25 =	smul.u32 $0x50000, s0  }
0x6: {  	s14 =	simm.s32 $0x0;
	s1 =	rddreg [dreg:$0x2];
	s8 =	smul.u32 $0x2710, s6  }
0x7: {  	[smem:$0x7FF] =	sst s3;
	s30 =	sshll.u32 s0, $0x6;
	s22 =	smul.u32 $0x140000, s6  }
0x8: {  	_ =	strace $0x8000004A;
	s28 =	ssub.s32 $0x2, s6;
	s6 =	smul.u32 $0x27100, s6  }
0x9: {  	s10 =	sadd.s32 s4, s5;
	s24 =	sshrl.u32 s9, $0x3;
	s29 =	sshrl.u32 s28, $0x1  }
0xa: {  	s7 =	sadd.s32 s8, s7;
	s23 =	sadd.s32 s9, s22;
	s8 =	sshrl.u32 s25, $0x2  }
0xb: {  	s12 =	ssub.s32 s28, s29;
	s31 =	sadd.s32 s6, s10;
	s7 =	sshrl.u32 s7, $0x3  }
0xc: {  	s4 =	sshrl.u32 s23, $0x3;
	s13 =	sadd.s32 s8, s2;
	s8 =	sadd.s32 $0xEBDA00, s31  }
0xd: {  	s11 =	sadd.s32 s7, s5;
	s7 =	sadd.s32 s24, s5;
	s26 =	sadd.s32 s4, s5  }
0xe: {  	s5 =	sor.u32 $0x1C01, s30;
	s10 =	sshrl.u32 s13, $0x3;
	s13 =	simm.s32 $0x50  }
0xf: {  	s4 =	sadd.s32 $0x17800, s7;
	s6 =	sadd.s32 $0x3F800, s26;
	s7 =	smax.u32 s12, $0x1  }
0x10: {  	s9 =	sadd.s32 $0xDA00, s11;
	s11 =	simm.s32 $0x1;
	s12 =	simm.s32 $0x80  }
.LBB2_1:
0x11: {  	[spmem:s10], [sflag:s5] =	dma.local [hbm:s4], $0x2800  }
0x12: {  	_ =	swait.ge [sflag:s11], $0x2800  }
0x13: {  	[sflag:s11] =	ssyncset.done $0x0  }
0x14: {  	[sflag:s11] =	ssyncadd.s32 $0xFFFFD800  }
0x15: {  	s15 =	sadd.s32 $0x0, s9;
	[bflag:$0x0] =	sbarrier.arrive $0xFFFF  }
0x16: {  	[tilespmem:s3], [sflag:$0x1] =	stream.linear.gather [hbm4b:s15+s3], $0x50, $0x38;
	[tilespmem:$0x16880] =	vst v63  }
0x17: {  	_ =	swait.ge [sflag:s11], $0x50  }
0x18: {  	[sflag:s11] =	ssyncset.done $0x0  }
0x19: {  	[sflag:s11] =	ssyncadd.s32 $0xFFFFFFB0  }
0x1a: {  	[tilespmem:s12], [sflag:$0x1] =	stream.linear.gather [hbm4b:s8+s3], $0x2800, $0x38;
	[tilespmem:$0x16880] =	vst v63  }
0x1b: {  	_ =	swait.ge [sflag:s11], $0x2800  }
0x1c: {  	[sflag:s11] =	ssyncset.done $0x0  }
0x1d: {  	[sflag:s11] =	ssyncadd.s32 $0xFFFFD800  }
0x1e: {  	[spmem:s2] =	stream.indirect.scatter.add.f32 [tilespmem:s12], [sflag:$0x1], $0x80, s3, s13, $0xb8;
	[tilespmem:$0x16880] =	vst v63  }
0x1f: {  	s16 =	simm.s32 $0xA;
	_ =	swait.ge [sflag:s11], $0x2800  }
0x20: {  	s17 =	simm.s32 $0x14;
	s15 =	sadd.s32 $0x500, s8;
	[sflag:s11] =	ssyncset.done $0x0  }
.LBB2_2:
0x21: {  	s18 =	sadd.s32 s16, s9  }
0x22: {  	[sflag:s11] =	ssyncadd.s32 $0xFFFFD800;
	s16 =	smov.u32 s17;
	s19 =	sadd.s32 $0xA, s17  }
0x23: {  	[tilespmem:s3], [sflag:$0x1] =	stream.linear.gather [hbm4b:s18+s3], $0x50, $0x38;
	[tilespmem:$0x16880] =	vst v63  }
0x24: {  	p0 =	sne.s32 s17, $0x4D8;
	_ =	swait.ge [sflag:s11], $0x50  }
0x25: {  	[sflag:s11] =	ssyncset.done $0x0  }
0x26: {  	[sflag:s11] =	ssyncadd.s32 $0xFFFFFFB0  }
0x27: {  	[tilespmem:s12], [sflag:$0x1] =	stream.linear.gather [hbm4b:s15+s3], $0x2800, $0x38;
	[tilespmem:$0x16880] =	vst v63  }
0x28: {  	_ =	swait.ge [sflag:s11], $0x2800  }
.Ltmp0:
0x29: {  	[sflag:s11] =	ssyncset.done $0x0;
	(pc) =	sbr.rel @p0 .LBB2_2-.Ltmp0, $4  }
0x2a: {  	[sflag:s11] =	ssyncadd.s32 $0xFFFFD800  }
0x2b: {  	[spmem:s2] =	stream.indirect.scatter.add.f32 [tilespmem:s12], [sflag:$0x1], $0x80, s3, s13, $0xb8;
	[tilespmem:$0x16880] =	vst v63  }
0x2c: {  	_ =	swait.ge [sflag:s11], $0x2800  }
0x2d: {  	s17 =	smov.u32 s19;
	s15 =	sadd.s32 $0x500, s15;
	[sflag:s11] =	ssyncset.done $0x0  }
0x2e: {  	s16 =	sadd.s32 s16, s9;
	[sflag:s11] =	ssyncadd.s32 $0xFFFFD800  }
0x2f: {  	[tilespmem:s3], [sflag:$0x1] =	stream.linear.gather [hbm4b:s16+s3], $0x50, $0x38;
	[tilespmem:$0x16880] =	vst v63  }
0x30: {  	_ =	swait.ge [sflag:s11], $0x50  }
0x31: {  	[sflag:s11] =	ssyncset.done $0x0  }
0x32: {  	[sflag:s11] =	ssyncadd.s32 $0xFFFFFFB0  }
0x33: {  	[tilespmem:s12], [sflag:$0x1] =	stream.linear.gather [hbm4b:s15+s3], $0x2800, $0x38;
	[tilespmem:$0x16880] =	vst v63  }
0x34: {  	_ =	swait.ge [sflag:s11], $0x2800  }
0x35: {  	[sflag:s11] =	ssyncset.done $0x0  }
0x36: {  	[sflag:s11] =	ssyncadd.s32 $0xFFFFD800  }
0x37: {  	[spmem:s2] =	stream.indirect.scatter.add.f32 [tilespmem:s12], [sflag:$0x1], $0x80, s3, s13, $0xb8;
	[tilespmem:$0x16880] =	vst v63  }
0x38: {  	_ =	swait.ge [sflag:s11], $0x2800  }
0x39: {  	s14 =	sadd.s32 $0x1, s14;
	[sflag:s11] =	ssyncset.done $0x0  }
0x3a: {  	p0 =	sne.s32 s14, s7;
	[sflag:s11] =	ssyncadd.s32 $0xFFFFD800  }
.Ltmp1:
0x3b: {  	[bflag:$0x0] =	sbarrier.arrive $0xFFFF;
	(pc) =	sbr.rel @p0 .LBB2_1-.Ltmp1, $4  }
0x3c: {  	[hbm:s6], [sflag:s5] =	dma.local [spmem:s10], $0x2800  }
0x3d: {  	_ =	swait.ge [sflag:s11], $0x2800  }
0x3e: {  	[sflag:s11] =	ssyncset.done $0x0  }
0x3f: {  	[sflag:s11] =	ssyncadd.s32 $0xFFFFD800  }
0x40: {  	_ =	sfence.sel $0x180000  }
0x41: {  	[bflag:$0x0] =	sbarrier.arrive $0xFFFF  }
0x42: {  	p0 =	sne.s32 s0, $0x0;
	_ =	strace $0x9000004A  }
0x43: {  	s0 =	sadd.s32 @!p0 $0x100000, s1;
	[bflag:$0x2] =	sbarrier.arrive $0xFFFF  }
0x44: {  	[sflag:s0] =	ssyncadd.tile.s32 @!p0 $0x1;
	_ =	shalt  }
.Lfunc_end2:
_tile_overlayer_lowered:
.L_overlay_start_2:
0x45: {  	(tag) =	ssettag $0x2  }
0x46: {  	s0 =	rddreg [dreg:$0x0];
	s2 =	stileid.u32  }
0x47: {  	s1 =	rddreg [dreg:$0x1];
	p0 =	sne.s32 s2, $0x0  }
0x48: {  	s3 =	rddreg [dreg:$0x2];
	[bflag:$0x3] =	sbarrier.arrive $0xFFFF;
	s2 =	simm.s32 @!p0 $0x1C01  }
0x49: {  	[timem:s3], [sflag:s2] =	dma.local @!p0 [hbm:s0], s1  }
0x4a: {  	s0 =	simm.s32 @!p0 $0x1  }
0x4b: {  	_ =	swait.ge @!p0 [sflag:s0], s1  }
0x4c: {  	s1 =	ssub.s32 @!p0 $0x0, s1;
	[sflag:s0] =	ssyncset.done @!p0 $0x0  }
0x4d: {  	[sflag:s0] =	ssyncadd.s32 @!p0 s1  }
0x4e: {  	[bflag:$0x3] =	sbarrier.arrive $0xFFFF  }
0x4f: {  	_ =	shalt  }

// kernel: kernel.7.cloned.1.call-start
scs
__scs_entry_jumppad:
0x0: {  	(pc) =	sbr.rel $0x88, $3  }
0x1: {  	(tag) =	ssettag $0x0;
	lr =	simm.s32 $0x1  }
0x2: {  	[smem:$0x3F8B] =	sst lr;
	_ =	strace $0xD0000000  }
0x3: {  	_ = 	snop  }
0x4: {  	_ = 	snop  }
0x5: {  	_ = 	snop  }
0x6: {  	_ = 	snop  }
0x7: {  	_ = 	snop  }
__scs_overlays_trampoline_lowered:
0x8: {  	[smem:$0x3F9A] =	sst s0  }
0x9: {  	[smem:$0x3F9B] =	sst s1  }
0xa: {  	[smem:$0x3F9C] =	sst s2  }
0xb: {  	[smem:$0x3F9D] =	sst s3  }
0xc: {  	[smem:$0x3F9E] =	sst s4  }
0xd: {  	[smem:$0x3F9F] =	sst s5  }
0xe: {  	[smem:$0x3FA0] =	sst s6  }
0xf: {  	[smem:$0x3FA1] =	sst s7  }
0x10: {  	[smem:$0x3FA2] =	sst s8  }
0x11: {  	[smem:$0x3FA3] =	sst s9;
	s0 =	simm.s32 @!p0 $0x0  }
0x12: {  	s1 =	sld [smem:$0x3F89];
	s0 =	simm.s32 @p0 $0x1  }
0x13: {  	[smem:$0x3FA4] =	sst s0;
	s0 =	simm.s32 @!p1 $0x0  }
0x14: {  	s2 =	sld [smem:$0x3F88];
	s0 =	simm.s32 @p1 $0x1  }
0x15: {  	[smem:$0x3FA5] =	sst s0;
	s0 =	simm.s32 @!p2 $0x0  }
0x16: {  	s3 =	sld [smem:$0x3FDB];
	s0 =	simm.s32 @p2 $0x1  }
0x17: {  	s4 =	simm.s32 $0x1BF5;
	[smem:$0x3FA7] =	sst s0  }
0x18: {  	s0 =	sld [smem:$0x3F8A];
	_ =	swait.ge [sflag:s4], $0x0  }
0x19: {  	s7 =	sld [smem:$0x3F8B]  }
0x1a: {  	s8 =	sadd.s32 $0xFFFFE003, lr  }
0x1b: {  	s9 =	sadd.s32 $0xFFFFFEF7, lr;
	s5 =	simm.s32 $0xFFFFFFFF;
	p2 =	slt.u32 s8, $0xFFFFF086  }
0x1c: {  	p1 =	slt.u32 s9, $0xF7A;
	s5 =	simm.s32 @!p2 $0x0  }
0x1d: {  	s5 =	simm.s32 @p1 $0x1;
	p0 =	seq.s32 s7, s2  }
0x1e: {  	s7 =	smul.u32 @!p0 $0xF7A, s2;
	p2 =	seq.s32 @!p0 s5, $0x0  }
0x1f: {  	s9 =	smul.u32 $0xF7A, s1;
	s8 =	simm.s32 @!p0 $0x1BF5;
	p2 =	por !p2, p0  }
0x20: {  	[sflag:s8] =	ssyncset.s32 @!p0 $0xFFFFF086;
	s6 =	sadd.s32 @!p0 s3, s7;
	s7 =	simm.s32 @!p0 $0x108  }
0x21: {  	s3 =	sadd.s32 s3, s9;
	s6 =	sadd.s32 @!p0 $0x88, s6;
	s7 =	simm.s32 @p2 $0x1082  }
0x22: {  	[simem:s7], [sflag:s8] =	dma.local @!p0 [hbm:s6], $0xF7A  }
0x23: {  	s9 =	sor.u32 $0xD0000000, s2;
	s6 =	simm.s32 $0x108;
	_ =	swait.ge @!p0 [sflag:s8], $0x0  }
0x24: {  	s3 =	sadd.s32 $0x88, s3;
	s6 =	simm.s32 @!p1 $0x1082;
	[sflag:s4] =	ssyncset.s32 $0xFFFFF086  }
0x25: {  	[simem:s6], [sflag:s4] =	dma.local [hbm:s3], $0xF7A  }
0x26: {  	[smem:$0x3F8B] =	sst s1;
	(tag) =	ssettag s2;
	_ =	strace s9  }
0x27: {  	s1 =	sld [smem:$0x3F9B]  }
0x28: {  	s2 =	sld [smem:$0x3F9C]  }
0x29: {  	s4 =	sld [smem:$0x3F9E]  }
0x2a: {  	p0 =	seq.s32 s5, $0x0;
	s5 =	sld [smem:$0x3F9F]  }
0x2b: {  	s6 =	sld [smem:$0x3FA0]  }
0x2c: {  	s7 =	sld [smem:$0x3FA1]  }
0x2d: {  	s3 =	simm.s32 $0x108;
	s8 =	sld [smem:$0x3FA2]  }
0x2e: {  	s3 =	simm.s32 @!p0 $0x1082;
	s9 =	sld [smem:$0x3FA3]  }
0x2f: {  	lr =	sadd.s32 s0, s3;
	s0 =	sld [smem:$0x3F9A]  }
0x30: {  	s3 =	sld [smem:$0x3F9D]  }
0x31: {  	[smem:$0x3FA6] =	sst s10  }
0x32: {  	s10 =	sld [smem:$0x3FA4];
	_ =	sdelay $0x3  }
0x33: {  	p0 =	seq.s32 s10, $0x1;
	s10 =	sld [smem:$0x3FA6];
	_ =	sdelay $0x3  }
0x34: {  	[smem:$0x3FA6] =	sst s10  }
0x35: {  	s10 =	sld [smem:$0x3FA5];
	_ =	sdelay $0x3  }
0x36: {  	p1 =	seq.s32 s10, $0x1;
	s10 =	sld [smem:$0x3FA6];
	_ =	sdelay $0x3  }
0x37: {  	[smem:$0x3FA6] =	sst s10  }
0x38: {  	s10 =	sld [smem:$0x3FA7]  }
0x39: {  	_ = 	snop;
	(pc) =	sbr.ind lr, $3  }
0x3a: {  	_ = 	snop  }
0x3b: {  	_ = 	snop  }
0x3c: {  	p2 =	seq.s32 s10, $0x1;
	s10 =	sld [smem:$0x3FA6]  }
0x3d: {  	_ =	shalt  }
0x3e: {  	_ =	shalt  }
0x3f: {  	_ =	shalt  }
0x40: {  	_ =	shalt  }
0x41: {  	_ =	shalt  }
0x42: {  	_ =	shalt  }
0x43: {  	_ =	shalt  }
0x44: {  	_ =	shalt  }
0x45: {  	_ =	shalt  }
0x46: {  	_ =	shalt  }
0x47: {  	_ =	shalt  }
0x48: {  	_ =	shalt  }
0x49: {  	_ =	shalt  }
0x4a: {  	_ =	shalt  }
0x4b: {  	_ =	shalt  }
0x4c: {  	_ =	shalt  }
0x4d: {  	_ =	shalt  }
0x4e: {  	_ =	shalt  }
0x4f: {  	_ =	shalt  }
0x50: {  	_ =	shalt  }
0x51: {  	_ =	shalt  }
0x52: {  	_ =	shalt  }
0x53: {  	_ =	shalt  }
0x54: {  	_ =	shalt  }
0x55: {  	_ =	shalt  }
0x56: {  	_ =	shalt  }
0x57: {  	_ =	shalt  }
0x58: {  	_ =	shalt  }
0x59: {  	_ =	shalt  }
0x5a: {  	_ =	shalt  }
0x5b: {  	_ =	shalt  }
0x5c: {  	_ =	shalt  }
0x5d: {  	_ =	shalt  }
0x5e: {  	_ =	shalt  }
0x5f: {  	_ =	shalt  }
0x60: {  	_ =	shalt  }
0x61: {  	_ =	shalt  }
0x62: {  	_ =	shalt  }
0x63: {  	_ =	shalt  }
0x64: {  	_ =	shalt  }
0x65: {  	_ =	shalt  }
0x66: {  	_ =	shalt  }
0x67: {  	_ =	shalt  }
0x68: {  	_ =	shalt  }
0x69: {  	_ =	shalt  }
0x6a: {  	_ =	shalt  }
0x6b: {  	_ =	shalt  }
0x6c: {  	_ =	shalt  }
0x6d: {  	_ =	shalt  }
0x6e: {  	_ =	shalt  }
0x6f: {  	_ =	shalt  }
0x70: {  	_ =	shalt  }
0x71: {  	_ =	shalt  }
0x72: {  	_ =	shalt  }
0x73: {  	_ =	shalt  }
0x74: {  	_ =	shalt  }
0x75: {  	_ =	shalt  }
0x76: {  	_ =	shalt  }
0x77: {  	_ =	shalt  }
0x78: {  	_ =	shalt  }
0x79: {  	_ =	shalt  }
0x7a: {  	_ =	shalt  }
0x7b: {  	_ =	shalt  }
0x7c: {  	_ =	shalt  }
0x7d: {  	_ =	shalt  }
0x7e: {  	_ =	shalt  }
0x7f: {  	_ =	shalt  }
0x80: {  	_ =	shalt  }
0x81: {  	_ =	shalt  }
0x82: {  	_ =	shalt  }
0x83: {  	_ =	shalt  }
0x84: {  	_ =	shalt  }
0x85: {  	_ =	shalt  }
0x86: {  	_ =	shalt  }
0x87: {  	_ =	shalt  }
.Lfunc_end0:
.L_simem_size_0:
called_computation_lowered:
.L_overlay_start_0:
0x88: {  	s2 =	sld [smem:$0x3FD9]  }
0x89: {  	s3 =	sld [smem:$0x3FFE];
	_ =	sdelay $0x1  }
0x8a: {  	s1 =	srdreg.scid  }
0x8b: {  	s0 =	sand.u32 $0x1, s1  }
0x8c: {  	s17 =	sshll.u32 s0, $0xA;
	s2 =	sadd.s32 s3, s2  }
0x8d: {  	s2 =	sadd.s32 s2, s17  }
0x8e: {  	[smem:$0x3FB2] =	sst s2  }
0x8f: {  	_ = 	snop  }
0x90: {  	s2 =	sld [smem:$0x3FD0];
	(tm) =	ssettm $0x1  }
0x91: {  	s18 =	sld [smem:$0x3FFB];
	_ =	sdelay $0x3  }
0x92: {  	_ =	strace s18  }
0x93: {  	s3 =	sld [smem:$0x3FFC];
	_ =	sdelay $0x3  }
0x94: {  	_ =	strace s3  }
0x95: {  	s3 =	sld [smem:$0x3FFD];
	_ =	sdelay $0x3  }
0x96: {  	_ =	strace s3  }
0x97: {  	_ =	strace $0x8FFFFFFF  }
0x98: {  	s19 =	sld [smem:$0x3FDB];
	_ =	sdelay $0x1  }
0x99: {  	s4 =	simm.s32 $_scs_section_size  }
0x9a: {  	s5 =	simm.s32 $_size__tile_overlayer_lowered;
	s6 =	simm.s32 $_tile_overlayer_lowered  }
0x9b: {  	s22 =	simm.s32 $0x1BFF;
	s21 =	sshll.u32 s6, $0x1;
	s3 =	sadd.s32 s4, s19  }
0x9c: {  	s7 =	simm.s32 $0x0;
	s20 =	sshll.u32 s5, $0x1;
	s5 =	sadd.s32 s21, s3  }
0x9d: {  	[timem:s7], [sflag:s22] =	dma.local [hbm:s5], s20  }
0x9e: {  	_ =	swait.ge [sflag:s22], s20  }
0x9f: {  	s4 =	ssub.s32 $0x0, s20;
	[sflag:s22] =	ssyncset.done $0x0  }
0xa0: {  	[sflag:s22] =	ssyncadd.s32 s4;
	_ =	sdelay $0x1  }
0xa1: {  	s23 =	simm.s32 $0x1B8B  }
0xa2: {  	_ =	swait.ge [sflag:s23], $0x1  }
0xa3: {  	[sflag:s23] =	ssyncset.done $0x0  }
0xa4: {  	s25 =	simm.s32 $0x1B8E;
	s24 =	sld [smem:$0x3FFE];
	[sflag:s23] =	ssyncadd.s32 $0xFFFFFFFF  }
0xa5: {  	s26 =	simm.s32 $execute0_lowered;
	[smem:$0x3FD2] =	sst s25  }
0xa6: {  	s5 =	sshll.u32 s26, $0x1;
	_ =	strace $0x80000046;
	[dreg:$0x1] =	wrdreg $0xFFFFFFFF  }
0xa7: {  	s28 =	simm.s32 $_size_execute0_lowered;
	s3 =	sadd.s32 s3, s5;
	[dreg:$0x0] =	wrdreg $0x0  }
0xa8: {  	s5 =	sshll.u32 s28, $0x1;
	[dreg:$0x2] =	wrdreg s3  }
0xa9: {  	[dreg:$0x3] =	wrdreg s5  }
0xaa: {  	[dreg:$0x4] =	wrdreg $0xC0  }
0xab: {  	_ =	task [dreg:s7], $0x5FFFF  }
0xac: {  	[dreg:$0x1] =	wrdreg $0xFFFFFFFF  }
0xad: {  	[dreg:$0x0] =	wrdreg $0x60  }
0xae: {  	[dreg:$0x2] =	wrdreg s2  }
0xaf: {  	[dreg:$0x3] =	wrdreg s24  }
0xb0: {  	[dreg:$0x4] =	wrdreg $0x9  }
0xb1: {  	_ =	task.clear_ibuf [dreg:s7], $0x5FFFF;
	_ =	strace $0x90000046  }
0xb2: {  	s29 =	simm.s32 $0x9;
	_ =	strace $0x80000048  }
0xb3: {  	_ =	swait.ge [sflag:s29], $0x1  }
0xb4: {  	[sflag:s29] =	ssyncadd.s32 $0xFFFFFFFF  }
0xb5: {  	_ =	strace $0x90000048  }
0xb6: {  	_ =	sfence  }
0xb7: {  	s30 =	sld [smem:$0x0];
	_ =	sdelay $0x2  }
0xb8: {  	s31 =	sshll.u32 s1, $0xD;
	s1 =	sshrl.u32 s1, $0x2  }
0xb9: {  	s3 =	sand.u32 $0x4000, s31;
	s1 =	sadd.s32 s1, s30  }
0xba: {  	s0 =	sor.u32 s3, s0;
	s1 =	sshll.u32 s1, $0x11  }
0xbb: {  	s0 =	sor.u32 s1, s0  }
0xbc: {  	s0 =	sadd.s32 $0x8F2B, s0  }
0xbd: {  	[sflag:s0] =	ssyncadd.remote.s32 $0x1  }
0xbe: {  	_ =	sfence.sel $0xFFFF  }
0xbf: {  	[dreg:$0x0] =	wrdreg $0xFFFFFFFF;
	(pc) =	sbr.abs _section_cstart, $3  }
0xc0: {  	[dreg:$0x1] =	wrdreg $0xFFFFFFFF  }
0xc1: {  	_ =	task.clear_ibuf [dreg:s7], $0x2FFFF;
	_ =	strace $0x9FFFFFFF  }
0xc2: {  	(tm) =	ssettm $0x7FFFFFFF  }
0xc3: {  	_ =	shalt  }
tec
execute0_lowered:
.L_overlay_start_1:
0x0: {  	(tag) =	ssettag $0x1  }
0x1: {  	s2 =	rddreg [dreg:$0x0]  }
0x2: {  	s4 =	rddreg [dreg:$0x1]  }
0x3: {  	s0 =	rddreg [dreg:$0x2];
	s5 =	srdreg.scid  }
0x4: {  	s1 =	stileid.u32;
	s3 =	simm.s32 $0x0;
	s10 =	simm.s32 $0x80  }
0x5: {  	s11 =	simm.s32 $0x50;
	s12 =	simm.s32 $0x100;
	s13 =	simm.s32 $0x2900  }
0x6: {  	s14 =	simm.s32 $0x1;
	s15 =	simm.s32 $0x2;
	s6 =	smul.u32 $0x4E20, s1  }
0x7: {  	s16 =	simm.s32 $0x0;
	s5 =	sand.u32 $0x1, s5;
	s8 =	smul.u32 $0x4E200, s1  }
0x8: {  	[smem:$0x7FF] =	sst s3;
	s7 =	smul.u32 $0x2710, s5;
	s9 =	ssub.s32 $0x2, s5  }
0x9: {  	_ =	strace $0x80000047;
	s5 =	smul.u32 $0x27100, s5;
	s29 =	sshrl.u32 s9, $0x1  }
0xa: {  	s8 =	sadd.s32 s8, s4;
	s6 =	sadd.s32 s7, s6;
	s7 =	ssub.s32 s9, s29  }
0xb: {  	s31 =	sadd.s32 s5, s8;
	s9 =	simm.s32 $0x3;
	s6 =	sshrl.u32 s6, $0x3  }
0xc: {  	s5 =	sadd.s32 $0x17800, s31;
	s30 =	sadd.s32 s6, s4;
	s4 =	smax.u32 s7, $0x1  }
0xd: {  	s6 =	sadd.s32 $0x4F9800, s31;
	s7 =	sadd.s32 $0x3C00, s30;
	s8 =	sadd.s32 $0xDA00, s30  }
.LBB2_1:
0xe: {  	s17 =	sadd.s32 $0x0, s8  }
0xf: {  	[tilespmem:s3], [sflag:$0x3] =	stream.linear.gather [hbm4b:s17+s3], $0x50, $0x38;
	[tilespmem:$0x5100] =	vst v63  }
0x10: {  	_ =	swait.ge [sflag:s9], $0x50  }
0x11: {  	[sflag:s9] =	ssyncset.done $0x0  }
0x12: {  	s31 =	sadd.s32 $0x0, s7;
	[sflag:s9] =	ssyncadd.s32 $0xFFFFFFB0  }
0x13: {  	[tilespmem:s10], [sflag:$0x3] =	stream.linear.gather [hbm4b:s31+s3], $0x50, $0x38;
	[tilespmem:$0x5100] =	vst v63  }
0x14: {  	_ =	swait.ge [sflag:s9], $0x50  }
0x15: {  	[sflag:s9] =	ssyncset.done $0x0  }
0x16: {  	[sflag:s9] =	ssyncadd.s32 $0xFFFFFFB0  }
0x17: {  	[tilespmem:s12], [sflag:$0x1] =	stream.indirect.gather [hbm4b:s2+s11], $0x80, s3, s11, $0xb8;
	[tilespmem:$0x5100] =	vst v63  }
0x18: {  	_ = 	snop  }
0x19: {  	[tilespmem:s13], [sflag:$0x2] =	stream.indirect.gather [hbm4b:s2+s11], $0x80, s10, s11, $0xb8;
	[tilespmem:$0x5100] =	vst v63  }
0x1a: {  	_ =	swait.ge [sflag:s14], $0x2800  }
0x1b: {  	[sflag:s14] =	ssyncset.done $0x0  }
0x1c: {  	[sflag:s14] =	ssyncadd.s32 $0xFFFFD800  }
0x1d: {  	_ =	swait.ge [sflag:s15], $0x2800  }
0x1e: {  	[sflag:s15] =	ssyncset.done $0x0  }
0x1f: {  	[sflag:s15] =	ssyncadd.s32 $0xFFFFD800  }
0x20: {  	[hbm4b:s5+s3] =	stream.linear.scatter [tilespmem:s12], [sflag:$0x3], $0x2800, $0x38;
	[tilespmem:$0x5100] =	vst v63  }
0x21: {  	_ =	swait.ge [sflag:s9], $0x2800  }
0x22: {  	[sflag:s9] =	ssyncset.done $0x0  }
0x23: {  	[sflag:s9] =	ssyncadd.s32 $0xFFFFD800  }
0x24: {  	[hbm4b:s6+s3] =	stream.linear.scatter [tilespmem:s13], [sflag:$0x3], $0x2800, $0x38;
	[tilespmem:$0x5100] =	vst v63  }
0x25: {  	s19 =	simm.s32 $0xA;
	s20 =	simm.s32 $0x14;
	_ =	swait.ge [sflag:s9], $0x2800  }
0x26: {  	s18 =	sadd.s32 $0x500, s5;
	s17 =	sadd.s32 $0x500, s6;
	[sflag:s9] =	ssyncset.done $0x0  }
.LBB2_2:
0x27: {  	s21 =	sadd.s32 s19, s8  }
0x28: {  	[sflag:s9] =	ssyncadd.s32 $0xFFFFD800;
	s22 =	smov.u32 s20;
	s23 =	sadd.s32 $0xA, s20  }
0x29: {  	[tilespmem:s3], [sflag:$0x3] =	stream.linear.gather [hbm4b:s21+s3], $0x50, $0x38;
	[tilespmem:$0x5100] =	vst v63  }
0x2a: {  	p0 =	sne.s32 s20, $0x4D8;
	_ =	swait.ge [sflag:s9], $0x50  }
0x2b: {  	[sflag:s9] =	ssyncset.done $0x0  }
0x2c: {  	s20 =	sadd.s32 s19, s7;
	s19 =	smov.u32 s22;
	[sflag:s9] =	ssyncadd.s32 $0xFFFFFFB0  }
0x2d: {  	[tilespmem:s10], [sflag:$0x3] =	stream.linear.gather [hbm4b:s20+s3], $0x50, $0x38;
	[tilespmem:$0x5100] =	vst v63  }
0x2e: {  	_ =	swait.ge [sflag:s9], $0x50  }
0x2f: {  	[sflag:s9] =	ssyncset.done $0x0  }
0x30: {  	[sflag:s9] =	ssyncadd.s32 $0xFFFFFFB0  }
0x31: {  	[tilespmem:s12], [sflag:$0x1] =	stream.indirect.gather [hbm4b:s2+s11], $0x80, s3, s11, $0xb8;
	[tilespmem:$0x5100] =	vst v63  }
0x32: {  	_ = 	snop  }
0x33: {  	[tilespmem:s13], [sflag:$0x2] =	stream.indirect.gather [hbm4b:s2+s11], $0x80, s10, s11, $0xb8;
	[tilespmem:$0x5100] =	vst v63  }
0x34: {  	_ =	swait.ge [sflag:s14], $0x2800  }
0x35: {  	[sflag:s14] =	ssyncset.done $0x0  }
0x36: {  	[sflag:s14] =	ssyncadd.s32 $0xFFFFD800  }
0x37: {  	_ =	swait.ge [sflag:s15], $0x2800  }
0x38: {  	[sflag:s15] =	ssyncset.done $0x0  }
0x39: {  	[sflag:s15] =	ssyncadd.s32 $0xFFFFD800  }
0x3a: {  	[hbm4b:s18+s3] =	stream.linear.scatter [tilespmem:s12], [sflag:$0x3], $0x2800, $0x38;
	[tilespmem:$0x5100] =	vst v63  }
0x3b: {  	_ =	swait.ge [sflag:s9], $0x2800  }
.Ltmp0:
0x3c: {  	[sflag:s9] =	ssyncset.done $0x0;
	(pc) =	sbr.rel @p0 .LBB2_2-.Ltmp0, $4  }
0x3d: {  	[sflag:s9] =	ssyncadd.s32 $0xFFFFD800  }
0x3e: {  	[hbm4b:s17+s3] =	stream.linear.scatter [tilespmem:s13], [sflag:$0x3], $0x2800, $0x38;
	[tilespmem:$0x5100] =	vst v63  }
0x3f: {  	s20 =	smov.u32 s23;
	_ =	swait.ge [sflag:s9], $0x2800  }
0x40: {  	s18 =	sadd.s32 $0x500, s18;
	s17 =	sadd.s32 $0x500, s17;
	[sflag:s9] =	ssyncset.done $0x0  }
0x41: {  	s20 =	sadd.s32 s19, s8;
	[sflag:s9] =	ssyncadd.s32 $0xFFFFD800  }
0x42: {  	[tilespmem:s3], [sflag:$0x3] =	stream.linear.gather [hbm4b:s20+s3], $0x50, $0x38;
	[tilespmem:$0x5100] =	vst v63  }
0x43: {  	_ =	swait.ge [sflag:s9], $0x50  }
0x44: {  	[sflag:s9] =	ssyncset.done $0x0  }
0x45: {  	s31 =	sadd.s32 s19, s7;
	[sflag:s9] =	ssyncadd.s32 $0xFFFFFFB0  }
0x46: {  	[tilespmem:s10], [sflag:$0x3] =	stream.linear.gather [hbm4b:s31+s3], $0x50, $0x38;
	[tilespmem:$0x5100] =	vst v63  }
0x47: {  	_ =	swait.ge [sflag:s9], $0x50  }
0x48: {  	[sflag:s9] =	ssyncset.done $0x0  }
0x49: {  	[sflag:s9] =	ssyncadd.s32 $0xFFFFFFB0  }
0x4a: {  	[tilespmem:s12], [sflag:$0x1] =	stream.indirect.gather [hbm4b:s2+s11], $0x80, s3, s11, $0xb8;
	[tilespmem:$0x5100] =	vst v63  }
0x4b: {  	_ = 	snop  }
0x4c: {  	[tilespmem:s13], [sflag:$0x2] =	stream.indirect.gather [hbm4b:s2+s11], $0x80, s10, s11, $0xb8;
	[tilespmem:$0x5100] =	vst v63  }
0x4d: {  	_ =	swait.ge [sflag:s14], $0x2800  }
0x4e: {  	[sflag:s14] =	ssyncset.done $0x0  }
0x4f: {  	[sflag:s14] =	ssyncadd.s32 $0xFFFFD800  }
0x50: {  	_ =	swait.ge [sflag:s15], $0x2800  }
0x51: {  	[sflag:s15] =	ssyncset.done $0x0  }
0x52: {  	[sflag:s15] =	ssyncadd.s32 $0xFFFFD800  }
0x53: {  	[hbm4b:s18+s3] =	stream.linear.scatter [tilespmem:s12], [sflag:$0x3], $0x2800, $0x38;
	[tilespmem:$0x5100] =	vst v63  }
0x54: {  	s16 =	sadd.s32 $0x1, s16;
	_ =	swait.ge [sflag:s9], $0x2800  }
0x55: {  	p0 =	sne.s32 s16, s4;
	[sflag:s9] =	ssyncset.done $0x0  }
.Ltmp1:
0x56: {  	[sflag:s9] =	ssyncadd.s32 $0xFFFFD800;
	(pc) =	sbr.rel @p0 .LBB2_1-.Ltmp1, $4  }
0x57: {  	[hbm4b:s17+s3] =	stream.linear.scatter [tilespmem:s13], [sflag:$0x3], $0x2800, $0x38;
	[tilespmem:$0x5100] =	vst v63  }
0x58: {  	_ =	swait.ge [sflag:s9], $0x2800  }
0x59: {  	[sflag:s9] =	ssyncset.done $0x0  }
0x5a: {  	[sflag:s9] =	ssyncadd.s32 $0xFFFFD800  }
0x5b: {  	_ =	sfence.sel $0x180000  }
0x5c: {  	[bflag:$0x0] =	sbarrier.arrive $0xFFFF  }
0x5d: {  	p0 =	sne.s32 s1, $0x0;
	_ =	strace $0x90000047  }
0x5e: {  	s0 =	sadd.s32 @!p0 $0x100000, s0;
	[bflag:$0x2] =	sbarrier.arrive $0xFFFF  }
0x5f: {  	[sflag:s0] =	ssyncadd.tile.s32 @!p0 $0x1;
	_ =	shalt  }
.Lfunc_end2:
_tile_overlayer_lowered:
.L_overlay_start_2:
0x60: {  	(tag) =	ssettag $0x2  }
0x61: {  	s0 =	rddreg [dreg:$0x0];
	s2 =	stileid.u32  }
0x62: {  	s1 =	rddreg [dreg:$0x1];
	p0 =	sne.s32 s2, $0x0  }
0x63: {  	s3 =	rddreg [dreg:$0x2];
	[bflag:$0x3] =	sbarrier.arrive $0xFFFF;
	s2 =	simm.s32 @!p0 $0x1C03  }
0x64: {  	[timem:s3], [sflag:s2] =	dma.local @!p0 [hbm:s0], s1  }
0x65: {  	s0 =	simm.s32 @!p0 $0x3  }
0x66: {  	_ =	swait.ge @!p0 [sflag:s0], s1  }
0x67: {  	s1 =	ssub.s32 @!p0 $0x0, s1;
	[sflag:s0] =	ssyncset.done @!p0 $0x0  }
0x68: {  	[sflag:s0] =	ssyncadd.s32 @!p0 s1  }
0x69: {  	[bflag:$0x3] =	sbarrier.arrive $0xFFFF  }
0x6a: {  	_ =	shalt  }

</sc_bundles>
